<compile_context>
chip_gen: v7x
topology: tpu7x:2x2x1
jax: 0.10.2.dev20260603
libtpu: 0.0.44.dev20260713+nightly
codegen_flags: <defaults>
</compile_context>

<pallas_src>
import jax
import jax.numpy as jnp
import numpy as np
from jax import lax
from jax.experimental import pallas as pl
from jax.experimental.pallas import tpu as pltpu
from jax.experimental.pallas import tpu_sc as plsc

N = 10000
E = 320000
F = 128
H = 64
O = 32

NC, NS = 2, 16
NW = NC * NS
NU = E // 256
UT = NU // NW
ZR = N // NS
RB = 1000
W1 = H + 8



def _p1_body(x_ref, wl_ref, p_ref):
    mm = jnp.dot(x_ref[...], wl_ref[...], preferred_element_type=jnp.float32)
    p_ref[...] = jnp.concatenate(
        [mm, jnp.ones((RB, 1), jnp.float32), jnp.zeros((RB, 7), jnp.float32)],
        axis=1)


def _project_p1(x, wlT):
    return pl.pallas_call(
        _p1_body,
        grid=(N // RB,),
        in_specs=[
            pl.BlockSpec((RB, F), lambda i: (i, 0)),
            pl.BlockSpec((F, H), lambda i: (0, 0)),
        ],
        out_specs=pl.BlockSpec((RB, W1), lambda i: (i, 0)),
        out_shape=jax.ShapeDtypeStruct((N, W1), jnp.float32),
    )(x, wlT)


def _root_body(x_ref, w_ref, b_ref, r_ref):
    r_ref[...] = (jnp.dot(x_ref[...], w_ref[...],
                          preferred_element_type=jnp.float32) + b_ref[...])


def _project_root(x, wT, b, d_in, d_out):
    return pl.pallas_call(
        _root_body,
        grid=(N // RB,),
        in_specs=[
            pl.BlockSpec((RB, d_in), lambda i: (i, 0)),
            pl.BlockSpec((d_in, d_out), lambda i: (0, 0)),
            pl.BlockSpec((1, d_out), lambda i: (0, 0)),
        ],
        out_specs=pl.BlockSpec((RB, d_out), lambda i: (i, 0)),
        out_shape=jax.ShapeDtypeStruct((N, d_out), jnp.float32),
    )(x, wT, b.reshape(1, d_out))


def _combine_body(parts_ref, r_ref, wl_ref, p_ref, h_ref, ic_ref):
    agg = parts_ref[0, :, :H] + parts_ref[1, :, :H]
    cnt = parts_ref[0, :, H:H + 1] + parts_ref[1, :, H:H + 1]
    invc = 1.0 / jnp.maximum(cnt, 1.0)
    h = jnp.maximum(agg * invc + r_ref[...], 0.0)
    h_ref[...] = h
    ic_ref[...] = jnp.broadcast_to(invc, (RB, O))
    p_ref[...] = jnp.dot(h, wl_ref[...], preferred_element_type=jnp.float32)


def _combine_project(parts, r, wlT):
    return pl.pallas_call(
        _combine_body,
        grid=(N // RB,),
        in_specs=[
            pl.BlockSpec((NC, RB, 128), lambda i: (0, i, 0)),
            pl.BlockSpec((RB, H), lambda i: (i, 0)),
            pl.BlockSpec((H, O), lambda i: (0, 0)),
        ],
        out_specs=[
            pl.BlockSpec((RB, O), lambda i: (i, 0)),
            pl.BlockSpec((RB, H), lambda i: (i, 0)),
            pl.BlockSpec((RB, O), lambda i: (i, 0)),
        ],
        out_shape=[
            jax.ShapeDtypeStruct((N, O), jnp.float32),
            jax.ShapeDtypeStruct((N, H), jnp.float32),
            jax.ShapeDtypeStruct((N, O), jnp.float32),
        ],
    )(parts, r, wlT)


def _final_body(parts_ref, ic_ref, r_ref, out_ref):
    agg = parts_ref[0, :, :O] + parts_ref[1, :, :O]
    out_ref[...] = agg * ic_ref[...] + r_ref[...]


def _final_combine(parts, invc, r):
    return pl.pallas_call(
        _final_body,
        grid=(N // RB,),
        in_specs=[
            pl.BlockSpec((NC, RB, 128), lambda i: (0, i, 0)),
            pl.BlockSpec((RB, O), lambda i: (i, 0)),
            pl.BlockSpec((RB, O), lambda i: (i, 0)),
        ],
        out_specs=pl.BlockSpec((RB, O), lambda i: (i, 0)),
        out_shape=jax.ShapeDtypeStruct((N, O), jnp.float32),
    )(parts, invc, r)



def _make_edge_scatter(d):
    mesh = plsc.VectorSubcoreMesh(core_axis_name="c", subcore_axis_name="s",
                                  num_cores=NC, num_subcores=NS)

    def body(table, e3d, zeros_d, out, idx_v, rows0, rows1, rows2, acc,
             sem0, sem1, sem2):
        cid = lax.axis_index("c")
        sid = lax.axis_index("s")
        tile = cid * NS + sid
        extra = tile < NU - UT * NW
        base = tile * UT

        pltpu.sync_copy(e3d.at[:, pl.ds(base, UT)], idx_v.at[:, pl.ds(0, UT)])

        @pl.when(extra)
        def _():
            pltpu.sync_copy(e3d.at[:, pl.ds(UT * NW + tile, 1)],
                            idx_v.at[:, pl.ds(UT, 1)])

        pltpu.async_copy(table.at[idx_v.at[0, 0]], rows0, sem0)
        pltpu.async_copy(table.at[idx_v.at[0, 1]], rows1, sem1)

        zlo = sid * ZR
        pltpu.sync_copy(zeros_d.at[pl.ds(zlo, ZR)], acc.at[pl.ds(zlo, ZR)])
        plsc.subcore_barrier()

        nt = UT // 3

        def triple(k, carry):
            u = 3 * k
            pltpu.async_copy(table.at[idx_v.at[0, u + 2]], rows2, sem2)
            pltpu.make_async_copy(table.at[idx_v.at[0, u]], rows0,
                                  sem0).wait()
            pltpu.sync_copy(rows0, acc.at[idx_v.at[1, u]], add=True)

            @pl.when(k < nt - 1)
            def _():
                pltpu.async_copy(table.at[idx_v.at[0, u + 3]], rows0, sem0)

            pltpu.make_async_copy(table.at[idx_v.at[0, u + 1]], rows1,
                                  sem1).wait()
            pltpu.sync_copy(rows1, acc.at[idx_v.at[1, u + 1]], add=True)

            @pl.when(k < nt - 1)
            def _():
                pltpu.async_copy(table.at[idx_v.at[0, u + 4]], rows1, sem1)

            pltpu.make_async_copy(table.at[idx_v.at[0, u + 2]], rows2,
                                  sem2).wait()
            pltpu.sync_copy(rows2, acc.at[idx_v.at[1, u + 2]], add=True)
            return carry

        lax.fori_loop(0, nt, triple, None)

        @pl.when(extra)
        def _():
            pltpu.async_copy(table.at[idx_v.at[0, UT]], rows0, sem0)
            pltpu.make_async_copy(table.at[idx_v.at[0, UT]], rows0,
                                  sem0).wait()
            pltpu.sync_copy(rows0, acc.at[idx_v.at[1, UT]], add=True)

        plsc.subcore_barrier()

        pltpu.sync_copy(acc.at[pl.ds(zlo, ZR)],
                        out.at[cid, pl.ds(zlo, ZR), pl.ds(0, d)])

    return pl.kernel(
        body,
        out_type=[jax.ShapeDtypeStruct((NC, N, 128), jnp.float32)],
        mesh=mesh,
        scratch_types=[
            pltpu.VMEM((2, UT + 1, 256), jnp.int32),
            pltpu.VMEM((256, d), jnp.float32),
            pltpu.VMEM((256, d), jnp.float32),
            pltpu.VMEM((256, d), jnp.float32),
            pltpu.VMEM_SHARED((N, d), jnp.float32),
            pltpu.SemaphoreType.DMA,
            pltpu.SemaphoreType.DMA,
            pltpu.SemaphoreType.DMA,
        ],
        compiler_params=pltpu.CompilerParams(use_tc_tiling_on_sc=False))


def _make_edge_scatter_512(d):
    nu5 = E // 512
    ut5 = nu5 // NW
    rem = nu5 - ut5 * NW
    nt = ut5 // 3
    mesh = plsc.VectorSubcoreMesh(core_axis_name="c", subcore_axis_name="s",
                                  num_cores=NC, num_subcores=NS)

    def body(table, e5d, zeros_d, out, idx_v, rows0, rows1, rows2, acc,
             sem0, sem1, sem2):
        cid = lax.axis_index("c")
        sid = lax.axis_index("s")
        tile = cid * NS + sid
        extra = tile < rem
        base = ut5 * tile + jnp.minimum(tile, rem)

        pltpu.sync_copy(e5d.at[:, pl.ds(base, ut5)],
                        idx_v.at[:, pl.ds(0, ut5)])

        @pl.when(extra)
        def _():
            pltpu.sync_copy(e5d.at[:, pl.ds(base + ut5, 1)],
                            idx_v.at[:, pl.ds(ut5, 1)])

        pltpu.async_copy(table.at[idx_v.at[0, 0]], rows0, sem0)
        pltpu.async_copy(table.at[idx_v.at[0, 1]], rows1, sem1)

        zlo = sid * ZR
        pltpu.sync_copy(zeros_d.at[pl.ds(zlo, ZR)], acc.at[pl.ds(zlo, ZR)])
        plsc.subcore_barrier()

        def triple(k, carry):
            u = 3 * k
            pltpu.async_copy(table.at[idx_v.at[0, u + 2]], rows2, sem2)
            pltpu.make_async_copy(table.at[idx_v.at[0, u]], rows0,
                                  sem0).wait()
            pltpu.sync_copy(rows0, acc.at[idx_v.at[1, u]], add=True)

            pltpu.async_copy(table.at[idx_v.at[0, u + 3]], rows0, sem0)

            pltpu.make_async_copy(table.at[idx_v.at[0, u + 1]], rows1,
                                  sem1).wait()
            pltpu.sync_copy(rows1, acc.at[idx_v.at[1, u + 1]], add=True)

            @pl.when((k < nt - 1) | extra)
            def _():
                pltpu.async_copy(table.at[idx_v.at[0, u + 4]], rows1, sem1)

            pltpu.make_async_copy(table.at[idx_v.at[0, u + 2]], rows2,
                                  sem2).wait()
            pltpu.sync_copy(rows2, acc.at[idx_v.at[1, u + 2]], add=True)
            return carry

        lax.fori_loop(0, nt, triple, None)

        pltpu.make_async_copy(table.at[idx_v.at[0, ut5 - 1]], rows0,
                              sem0).wait()
        pltpu.sync_copy(rows0, acc.at[idx_v.at[1, ut5 - 1]], add=True)

        @pl.when(extra)
        def _():
            pltpu.make_async_copy(table.at[idx_v.at[0, ut5]], rows1,
                                  sem1).wait()
            pltpu.sync_copy(rows1, acc.at[idx_v.at[1, ut5]], add=True)

        plsc.subcore_barrier()
        pltpu.sync_copy(acc.at[pl.ds(zlo, ZR)],
                        out.at[cid, pl.ds(zlo, ZR), pl.ds(0, d)])

    return pl.kernel(
        body,
        out_type=[jax.ShapeDtypeStruct((NC, N, 128), jnp.float32)],
        mesh=mesh,
        scratch_types=[
            pltpu.VMEM((2, ut5 + 1, 512), jnp.int32),
            pltpu.VMEM((512, d), jnp.float32),
            pltpu.VMEM((512, d), jnp.float32),
            pltpu.VMEM((512, d), jnp.float32),
            pltpu.VMEM_SHARED((N, d), jnp.float32),
            pltpu.SemaphoreType.DMA,
            pltpu.SemaphoreType.DMA,
            pltpu.SemaphoreType.DMA,
        ],
        compiler_params=pltpu.CompilerParams(use_tc_tiling_on_sc=False))


_edge_scatter_l1 = _make_edge_scatter(W1)
_edge_scatter_l2 = _make_edge_scatter_512(O)



_ZEROS_1 = np.zeros((N, W1), np.float32)
_ZEROS_2 = np.zeros((N, O), np.float32)


def kernel(x, edge_index, W1l, b1, W1r, W2l, b2, W2r):
    e3d = edge_index.astype(jnp.int32).reshape(2, NU, 256)
    zeros_1 = _ZEROS_1
    zeros_2 = _ZEROS_2

    p1 = _project_p1(x, W1l.T)
    part1, = _edge_scatter_l1(p1, e3d, zeros_1)
    r1 = _project_root(x, W1r.T, b1, F, H)
    p2, h, invc = _combine_project(part1, r1, W2l.T)
    part2, = _edge_scatter_l2(p2, e3d.reshape(2, E // 512, 512), zeros_2)
    r2 = _project_root(h, W2r.T, b2, H, O)
    return _final_combine(part2, invc, r2)

# --- scband reference (transcript-rebuilt; emitter-appended) ---
"""Pipeline reference for scband-sagerecommender-6897717477582 (READ-ONLY COPY).

The authoritative reference and input builder live on the scoring server;
editing this copy changes nothing except your own understanding.
"""

import jax, jax.numpy as jnp
import numpy as np

N_NODES = 10000
N_EDGES = 320000
IN_FEATS = 128
HIDDEN = 64
OUT_FEATS = 32


def setup_inputs(seed: int = 0) -> dict:
    key = jax.random.key(seed)
    ks = jax.random.split(key, 8)
    x = jax.random.normal(ks[0], (N_NODES, IN_FEATS), dtype=jnp.float32)
    edge_index = jax.random.randint(ks[1], (2, N_EDGES), 0, N_NODES, dtype=jnp.int64)
    # SAGEConv layer 1 params (lin_l: aggregated neighbors, with bias; lin_r: root, no bias)
    s1 = 1.0 / np.sqrt(IN_FEATS)
    W1l = jax.random.uniform(ks[2], (HIDDEN, IN_FEATS), minval=-s1, maxval=s1, dtype=jnp.float32)
    b1 = jnp.zeros((HIDDEN,), dtype=jnp.float32)
    W1r = jax.random.uniform(ks[3], (HIDDEN, IN_FEATS), minval=-s1, maxval=s1, dtype=jnp.float32)
    # SAGEConv layer 2 params
    s2 = 1.0 / np.sqrt(HIDDEN)
    W2l = jax.random.uniform(ks[4], (OUT_FEATS, HIDDEN), minval=-s2, maxval=s2, dtype=jnp.float32)
    b2 = jnp.zeros((OUT_FEATS,), dtype=jnp.float32)
    W2r = jax.random.uniform(ks[5], (OUT_FEATS, HIDDEN), minval=-s2, maxval=s2, dtype=jnp.float32)
    return {"x": x, "edge_index": edge_index, "W1l": W1l, "b1": b1, "W1r": W1r, "W2l": W2l, "b2": b2, "W2r": W2r}


def _sage_conv(x, src, dst, Wl, b, Wr):
    # mean aggregation of neighbor features (messages flow src -> dst)
    msgs = jnp.take(x, src, axis=0)
    agg = jax.ops.segment_sum(msgs, dst, num_segments=N_NODES)
    cnt = jax.ops.segment_sum(jnp.ones((src.shape[0],), dtype=x.dtype), dst, num_segments=N_NODES)
    mean = agg / jnp.clip(cnt, 1.0)[:, None]
    return mean @ Wl.T + b + x @ Wr.T


def reference(x, edge_index, W1l, b1, W1r, W2l, b2, W2r):
    src = edge_index[0]
    dst = edge_index[1]
    h = _sage_conv(x, src, dst, W1l, b1, W1r)
    h = jax.nn.relu(h)
    out = _sage_conv(h, src, dst, W2l, b2, W2r)
    return out

if __name__ == "__main__":
    import jax
    _d = setup_inputs()
    print(jax.jit(kernel)(*tuple(_d.values())))

</pallas_src>

<mosaic_0001>
#map = affine_map<(d0, d1) -> (0, 0)>
#map1 = affine_map<(d0, d1) -> (0, 0, 0)>
module attributes {stable_mosaic.version = 14 : i64} {
  func.func @body(%arg0: i32, %arg1: i32, %arg2: memref<10000x32xf32, #tpu.memory_space<hbm>>, %arg3: memref<2x625x512xi32, #tpu.memory_space<hbm>>, %arg4: memref<10000x32xf32, #tpu.memory_space<hbm>>, %arg5: memref<2x10000x128xf32, #tpu.memory_space<hbm>>, %arg6: memref<2x20x512xi32, #tpu.memory_space<vmem>>, %arg7: memref<512x32xf32, #tpu.memory_space<vmem>>, %arg8: memref<512x32xf32, #tpu.memory_space<vmem>>, %arg9: memref<512x32xf32, #tpu.memory_space<vmem>>, %arg10: memref<10000x32xf32, #tpu.memory_space<vmem_shared>>, %arg11: memref<!tpu.dma_semaphore, #tpu.memory_space<semaphore_mem>>, %arg12: memref<!tpu.dma_semaphore, #tpu.memory_space<semaphore_mem>>, %arg13: memref<!tpu.dma_semaphore, #tpu.memory_space<semaphore_mem>>) attributes {dimension_semantics = [#tpu.dimension_semantics<core_parallel>, #tpu.dimension_semantics<subcore_parallel>], iteration_bounds = array<i64: 2, 16>, scalar_prefetch = 0 : i64, scratch_operands = 8 : i64, tpu.core_type = #tpu.core_type<sc_vector_subcore>, window_params = [{transform_indices = #map}, {transform_indices = #map1}, {transform_indices = #map}, {transform_indices = #map1}]} {
    %mul3A = arith.constant 16 : i32
    %mul3A_0 = arith.muli %arg0, %mul3A : i32
    %add3A = arith.addi %mul3A_0, %arg1 : i32
    %lt3A = arith.constant 17 : i32
    %lt3A_1 = arith.cmpi slt, %add3A, %lt3A : i32
    %mul3A_2 = arith.constant 19 : i32
    %mul3A_3 = arith.muli %mul3A_2, %add3A : i32
    %min3A = arith.constant 17 : i32
    %min3A_4 = arith.minsi %add3A, %min3A : i32
    %add3A_5 = arith.addi %mul3A_3, %min3A_4 : i32
    "tpu.region"() ({
      %run_scoped3A_40 = tpu.sem_alloc : memref<!tpu.dma_semaphore, #tpu.memory_space<semaphore_mem>>
      %dma_start3A_41 = arith.constant 0 : i32
      %dma_start3A_42 = arith.constant 0 : i32
      %dma_start3A_43 = arith.constant 0 : i32
      %dma_start3A_44 = tpu.memref_slice %arg6[%dma_start3A_41, %dma_start3A_42, %dma_start3A_43] : memref<2x20x512xi32, #tpu.memory_space<vmem>> -> memref<2x19x512xi32, #tpu.memory_space<vmem>>
      %dma_start3A_45 = arith.constant 0 : i32
      %dma_start3A_46 = arith.constant 0 : i32
      %dma_start3A_47 = tpu.memref_slice %arg3[%dma_start3A_45, %add3A_5, %dma_start3A_46] : memref<2x625x512xi32, #tpu.memory_space<hbm>> -> memref<2x19x512xi32, #tpu.memory_space<hbm>>
      %dma_start3A_48 = arith.constant 0 : i32
      %dma_start3A_49 = arith.constant 0 : i32
      %dma_start3A_50 = arith.constant 0 : i32
      %dma_start3A_51 = tpu.memref_slice %arg6[%dma_start3A_48, %dma_start3A_49, %dma_start3A_50] : memref<2x20x512xi32, #tpu.memory_space<vmem>> -> memref<2x19x512xi32, #tpu.memory_space<vmem>>
      %dma_start3A_52 = arith.constant 0 : i32
      %dma_start3A_53 = arith.constant 0 : i32
      %dma_start3A_54 = tpu.memref_slice %arg3[%dma_start3A_52, %add3A_5, %dma_start3A_53] : memref<2x625x512xi32, #tpu.memory_space<hbm>> -> memref<2x19x512xi32, #tpu.memory_space<hbm>>
      tpu.enqueue_dma source(%dma_start3A_54 : memref<2x19x512xi32, #tpu.memory_space<hbm>>) target(%dma_start3A_51 : memref<2x19x512xi32, #tpu.memory_space<vmem>>) target_semaphore(%run_scoped3A_40 : memref<!tpu.dma_semaphore, #tpu.memory_space<semaphore_mem>>)
      %dma_wait3A_55 = arith.constant 0 : i32
      %dma_wait3A_56 = arith.constant 0 : i32
      %dma_wait3A_57 = arith.constant 0 : i32
      %dma_wait3A_58 = tpu.memref_slice %arg6[%dma_wait3A_55, %dma_wait3A_56, %dma_wait3A_57] : memref<2x20x512xi32, #tpu.memory_space<vmem>> -> memref<2x19x512xi32, #tpu.memory_space<vmem>>
      %dma_wait3A_59 = arith.constant 0 : i32
      %dma_wait3A_60 = arith.constant 0 : i32
      %dma_wait3A_61 = tpu.memref_slice %arg3[%dma_wait3A_59, %add3A_5, %dma_wait3A_60] : memref<2x625x512xi32, #tpu.memory_space<hbm>> -> memref<2x19x512xi32, #tpu.memory_space<hbm>>
      %dma_wait3A_62 = arith.constant 0 : i32
      %dma_wait3A_63 = arith.constant 0 : i32
      %dma_wait3A_64 = arith.constant 0 : i32
      %dma_wait3A_65 = tpu.memref_slice %arg6[%dma_wait3A_62, %dma_wait3A_63, %dma_wait3A_64] : memref<2x20x512xi32, #tpu.memory_space<vmem>> -> memref<2x19x512xi32, #tpu.memory_space<vmem>>
      %dma_wait3A_66 = arith.constant 0 : i32
      %dma_wait3A_67 = arith.constant 0 : i32
      %dma_wait3A_68 = tpu.memref_slice %arg3[%dma_wait3A_66, %add3A_5, %dma_wait3A_67] : memref<2x625x512xi32, #tpu.memory_space<hbm>> -> memref<2x19x512xi32, #tpu.memory_space<hbm>>
      tpu.wait_dma2 semaphore(%run_scoped3A_40 : memref<!tpu.dma_semaphore, #tpu.memory_space<semaphore_mem>>) src(%dma_wait3A_68 : memref<2x19x512xi32, #tpu.memory_space<hbm>>) dst(%dma_wait3A_65 : memref<2x19x512xi32, #tpu.memory_space<vmem>>)
      tpu.yield
    }) : () -> ()
    %convert_element_type3A = arith.extui %lt3A_1 : i1 to i32
    %cond3A = arith.constant 0 : i32
    %cond3A_6 = arith.cmpi ne, %convert_element_type3A, %cond3A : i32
    scf.if %cond3A_6 {
      %add3A_40 = arith.constant 19 : i32
      %add3A_41 = arith.addi %add3A_5, %add3A_40 : i32
      "tpu.region"() ({
        %run_scoped3A_42 = tpu.sem_alloc : memref<!tpu.dma_semaphore, #tpu.memory_space<semaphore_mem>>
        %dma_start3A_43 = arith.constant 0 : i32
        %dma_start3A_44 = arith.constant 19 : i32
        %dma_start3A_45 = arith.constant 0 : i32
        %dma_start3A_46 = tpu.memref_slice %arg6[%dma_start3A_43, %dma_start3A_44, %dma_start3A_45] : memref<2x20x512xi32, #tpu.memory_space<vmem>> -> memref<2x1x512xi32, #tpu.memory_space<vmem>>
        %dma_start3A_47 = arith.constant 0 : i32
        %dma_start3A_48 = arith.constant 0 : i32
        %dma_start3A_49 = tpu.memref_slice %arg3[%dma_start3A_47, %add3A_41, %dma_start3A_48] : memref<2x625x512xi32, #tpu.memory_space<hbm>> -> memref<2x1x512xi32, #tpu.memory_space<hbm>>
        %dma_start3A_50 = arith.constant 0 : i32
        %dma_start3A_51 = arith.constant 19 : i32
        %dma_start3A_52 = arith.constant 0 : i32
        %dma_start3A_53 = tpu.memref_slice %arg6[%dma_start3A_50, %dma_start3A_51, %dma_start3A_52] : memref<2x20x512xi32, #tpu.memory_space<vmem>> -> memref<2x1x512xi32, #tpu.memory_space<vmem>>
        %dma_start3A_54 = arith.constant 0 : i32
        %dma_start3A_55 = arith.constant 0 : i32
        %dma_start3A_56 = tpu.memref_slice %arg3[%dma_start3A_54, %add3A_41, %dma_start3A_55] : memref<2x625x512xi32, #tpu.memory_space<hbm>> -> memref<2x1x512xi32, #tpu.memory_space<hbm>>
        tpu.enqueue_dma source(%dma_start3A_56 : memref<2x1x512xi32, #tpu.memory_space<hbm>>) target(%dma_start3A_53 : memref<2x1x512xi32, #tpu.memory_space<vmem>>) target_semaphore(%run_scoped3A_42 : memref<!tpu.dma_semaphore, #tpu.memory_space<semaphore_mem>>)
        %dma_wait3A_57 = arith.constant 0 : i32
        %dma_wait3A_58 = arith.constant 19 : i32
        %dma_wait3A_59 = arith.constant 0 : i32
        %dma_wait3A_60 = tpu.memref_slice %arg6[%dma_wait3A_57, %dma_wait3A_58, %dma_wait3A_59] : memref<2x20x512xi32, #tpu.memory_space<vmem>> -> memref<2x1x512xi32, #tpu.memory_space<vmem>>
        %dma_wait3A_61 = arith.constant 0 : i32
        %dma_wait3A_62 = arith.constant 0 : i32
        %dma_wait3A_63 = tpu.memref_slice %arg3[%dma_wait3A_61, %add3A_41, %dma_wait3A_62] : memref<2x625x512xi32, #tpu.memory_space<hbm>> -> memref<2x1x512xi32, #tpu.memory_space<hbm>>
        %dma_wait3A_64 = arith.constant 0 : i32
        %dma_wait3A_65 = arith.constant 19 : i32
        %dma_wait3A_66 = arith.constant 0 : i32
        %dma_wait3A_67 = tpu.memref_slice %arg6[%dma_wait3A_64, %dma_wait3A_65, %dma_wait3A_66] : memref<2x20x512xi32, #tpu.memory_space<vmem>> -> memref<2x1x512xi32, #tpu.memory_space<vmem>>
        %dma_wait3A_68 = arith.constant 0 : i32
        %dma_wait3A_69 = arith.constant 0 : i32
        %dma_wait3A_70 = tpu.memref_slice %arg3[%dma_wait3A_68, %add3A_41, %dma_wait3A_69] : memref<2x625x512xi32, #tpu.memory_space<hbm>> -> memref<2x1x512xi32, #tpu.memory_space<hbm>>
        tpu.wait_dma2 semaphore(%run_scoped3A_42 : memref<!tpu.dma_semaphore, #tpu.memory_space<semaphore_mem>>) src(%dma_wait3A_70 : memref<2x1x512xi32, #tpu.memory_space<hbm>>) dst(%dma_wait3A_67 : memref<2x1x512xi32, #tpu.memory_space<vmem>>)
        tpu.yield
      }) : () -> ()
    } else {
    }
    %dma_start3A = arith.constant 0 : i32
    %dma_start3A_7 = arith.constant 0 : i32
    %dma_start3A_8 = arith.constant 0 : i32
    %dma_start3A_9 = tpu.memref_slice %arg6[%dma_start3A, %dma_start3A_7, %dma_start3A_8] : memref<2x20x512xi32, #tpu.memory_space<vmem>> -> memref<1x1x512xi32, #tpu.memory_space<vmem>>
    %dma_start3A_10 = tpu.memref_squeeze %dma_start3A_9 : memref<1x1x512xi32, #tpu.memory_space<vmem>> -> memref<512xi32, #tpu.memory_space<vmem>>
    %dma_start3A_11 = arith.constant 0 : i32
    %dma_start3A_12 = arith.constant 0 : i32
    %dma_start3A_13 = tpu.memref_slice %arg2[%dma_start3A_11, %dma_start3A_12] : memref<10000x32xf32, #tpu.memory_space<hbm>> -> memref<10000x32xf32, #tpu.memory_space<hbm>>
    tpu.enqueue_indirect_dma source(%dma_start3A_13 : memref<10000x32xf32, #tpu.memory_space<hbm>>) target(%arg7 : memref<512x32xf32, #tpu.memory_space<vmem>>) offsets(%dma_start3A_10 : memref<512xi32, #tpu.memory_space<vmem>>) semaphore(%arg11 : memref<!tpu.dma_semaphore, #tpu.memory_space<semaphore_mem>>)
    %dma_start3A_14 = arith.constant 0 : i32
    %dma_start3A_15 = arith.constant 1 : i32
    %dma_start3A_16 = arith.constant 0 : i32
    %dma_start3A_17 = tpu.memref_slice %arg6[%dma_start3A_14, %dma_start3A_15, %dma_start3A_16] : memref<2x20x512xi32, #tpu.memory_space<vmem>> -> memref<1x1x512xi32, #tpu.memory_space<vmem>>
    %dma_start3A_18 = tpu.memref_squeeze %dma_start3A_17 : memref<1x1x512xi32, #tpu.memory_space<vmem>> -> memref<512xi32, #tpu.memory_space<vmem>>
    %dma_start3A_19 = arith.constant 0 : i32
    %dma_start3A_20 = arith.constant 0 : i32
    %dma_start3A_21 = tpu.memref_slice %arg2[%dma_start3A_19, %dma_start3A_20] : memref<10000x32xf32, #tpu.memory_space<hbm>> -> memref<10000x32xf32, #tpu.memory_space<hbm>>
    tpu.enqueue_indirect_dma source(%dma_start3A_21 : memref<10000x32xf32, #tpu.memory_space<hbm>>) target(%arg8 : memref<512x32xf32, #tpu.memory_space<vmem>>) offsets(%dma_start3A_18 : memref<512xi32, #tpu.memory_space<vmem>>) semaphore(%arg12 : memref<!tpu.dma_semaphore, #tpu.memory_space<semaphore_mem>>)
    %mul3A_22 = arith.constant 625 : i32
    %mul3A_23 = arith.muli %arg1, %mul3A_22 : i32
    "tpu.region"() ({
      %run_scoped3A_40 = tpu.sem_alloc : memref<!tpu.dma_semaphore, #tpu.memory_space<semaphore_mem>>
      %dma_start3A_41 = arith.constant 0 : i32
      %dma_start3A_42 = tpu.memref_slice %arg10[%mul3A_23, %dma_start3A_41] : memref<10000x32xf32, #tpu.memory_space<vmem_shared>> -> memref<625x32xf32, #tpu.memory_space<vmem_shared>>
      %dma_start3A_43 = arith.constant 0 : i32
      %dma_start3A_44 = tpu.memref_slice %arg4[%mul3A_23, %dma_start3A_43] : memref<10000x32xf32, #tpu.memory_space<hbm>> -> memref<625x32xf32, #tpu.memory_space<hbm>>
      tpu.enqueue_dma source(%dma_start3A_44 : memref<625x32xf32, #tpu.memory_space<hbm>>) target(%dma_start3A_42 : memref<625x32xf32, #tpu.memory_space<vmem_shared>>) target_semaphore(%run_scoped3A_40 : memref<!tpu.dma_semaphore, #tpu.memory_space<semaphore_mem>>)
      %dma_wait3A_45 = arith.constant 0 : i32
      %dma_wait3A_46 = tpu.memref_slice %arg10[%mul3A_23, %dma_wait3A_45] : memref<10000x32xf32, #tpu.memory_space<vmem_shared>> -> memref<625x32xf32, #tpu.memory_space<vmem_shared>>
      %dma_wait3A_47 = arith.constant 0 : i32
      %dma_wait3A_48 = tpu.memref_slice %arg4[%mul3A_23, %dma_wait3A_47] : memref<10000x32xf32, #tpu.memory_space<hbm>> -> memref<625x32xf32, #tpu.memory_space<hbm>>
      tpu.wait_dma2 semaphore(%run_scoped3A_40 : memref<!tpu.dma_semaphore, #tpu.memory_space<semaphore_mem>>) src(%dma_wait3A_48 : memref<625x32xf32, #tpu.memory_space<hbm>>) dst(%dma_wait3A_46 : memref<625x32xf32, #tpu.memory_space<vmem_shared>>)
      tpu.yield
    }) : () -> ()
    %barrier3A = arith.constant 0 : index
    tpu.barrier barrier_id(%barrier3A)
    %scan3A = arith.constant 0 : i32
    %scan3A_24 = arith.constant 6 : i32
    %scan3A_25 = arith.addi %scan3A, %scan3A_24 : i32
    %scan3A_26 = arith.constant 1 : i32
    scf.for %scan3A_40 = %scan3A to %scan3A_25 step %scan3A_26  : i32 {
      %mul3A_41 = arith.constant 3 : i32
      %mul3A_42 = arith.muli %mul3A_41, %scan3A_40 : i32
      %add3A_43 = arith.constant 2 : i32
      %add3A_44 = arith.addi %mul3A_42, %add3A_43 : i32
      %dma_start3A_45 = arith.constant 0 : i32
      %dma_start3A_46 = arith.constant 0 : i32
      %dma_start3A_47 = tpu.memref_slice %arg6[%dma_start3A_45, %add3A_44, %dma_start3A_46] : memref<2x20x512xi32, #tpu.memory_space<vmem>> -> memref<1x1x512xi32, #tpu.memory_space<vmem>>
      %dma_start3A_48 = tpu.memref_squeeze %dma_start3A_47 : memref<1x1x512xi32, #tpu.memory_space<vmem>> -> memref<512xi32, #tpu.memory_space<vmem>>
      %dma_start3A_49 = arith.constant 0 : i32
      %dma_start3A_50 = arith.constant 0 : i32
      %dma_start3A_51 = tpu.memref_slice %arg2[%dma_start3A_49, %dma_start3A_50] : memref<10000x32xf32, #tpu.memory_space<hbm>> -> memref<10000x32xf32, #tpu.memory_space<hbm>>
      tpu.enqueue_indirect_dma source(%dma_start3A_51 : memref<10000x32xf32, #tpu.memory_space<hbm>>) target(%arg9 : memref<512x32xf32, #tpu.memory_space<vmem>>) offsets(%dma_start3A_48 : memref<512xi32, #tpu.memory_space<vmem>>) semaphore(%arg13 : memref<!tpu.dma_semaphore, #tpu.memory_space<semaphore_mem>>)
      %dma_wait3A_52 = arith.constant 0 : i32
      %dma_wait3A_53 = arith.constant 0 : i32
      %dma_wait3A_54 = tpu.memref_slice %arg6[%dma_wait3A_52, %mul3A_42, %dma_wait3A_53] : memref<2x20x512xi32, #tpu.memory_space<vmem>> -> memref<1x1x512xi32, #tpu.memory_space<vmem>>
      %dma_wait3A_55 = tpu.memref_squeeze %dma_wait3A_54 : memref<1x1x512xi32, #tpu.memory_space<vmem>> -> memref<512xi32, #tpu.memory_space<vmem>>
      %dma_wait3A_56 = arith.constant 0 : i32
      %dma_wait3A_57 = arith.constant 0 : i32
      %dma_wait3A_58 = tpu.memref_slice %arg2[%dma_wait3A_56, %dma_wait3A_57] : memref<10000x32xf32, #tpu.memory_space<hbm>> -> memref<10000x32xf32, #tpu.memory_space<hbm>>
      tpu.wait_indirect_dma semaphore(%arg11 : memref<!tpu.dma_semaphore, #tpu.memory_space<semaphore_mem>>) src(%dma_wait3A_58 : memref<10000x32xf32, #tpu.memory_space<hbm>>) dst(%arg7 : memref<512x32xf32, #tpu.memory_space<vmem>>)
      %run_scoped3A_59 = arith.constant 1 : i32
      "tpu.region"() ({
        %run_scoped3A_98 = tpu.sem_alloc : memref<!tpu.dma_semaphore, #tpu.memory_space<semaphore_mem>>
        %dma_start3A_99 = arith.constant 0 : i32
        %dma_start3A_100 = tpu.memref_slice %arg6[%run_scoped3A_59, %mul3A_42, %dma_start3A_99] : memref<2x20x512xi32, #tpu.memory_space<vmem>> -> memref<1x1x512xi32, #tpu.memory_space<vmem>>
        %dma_start3A_101 = tpu.memref_squeeze %dma_start3A_100 : memref<1x1x512xi32, #tpu.memory_space<vmem>> -> memref<512xi32, #tpu.memory_space<vmem>>
        %dma_start3A_102 = arith.constant 0 : i32
        %dma_start3A_103 = arith.constant 0 : i32
        %dma_start3A_104 = tpu.memref_slice %arg10[%dma_start3A_102, %dma_start3A_103] : memref<10000x32xf32, #tpu.memory_space<vmem_shared>> -> memref<10000x32xf32, #tpu.memory_space<vmem_shared>>
        tpu.enqueue_indirect_dma source(%arg7 : memref<512x32xf32, #tpu.memory_space<vmem>>) target(%dma_start3A_104 : memref<10000x32xf32, #tpu.memory_space<vmem_shared>>) offsets(%dma_start3A_101 : memref<512xi32, #tpu.memory_space<vmem>>) semaphore(%run_scoped3A_98 : memref<!tpu.dma_semaphore, #tpu.memory_space<semaphore_mem>>) {add = true}
        %dma_wait3A_105 = arith.constant 0 : i32
        %dma_wait3A_106 = tpu.memref_slice %arg6[%run_scoped3A_59, %mul3A_42, %dma_wait3A_105] : memref<2x20x512xi32, #tpu.memory_space<vmem>> -> memref<1x1x512xi32, #tpu.memory_space<vmem>>
        %dma_wait3A_107 = tpu.memref_squeeze %dma_wait3A_106 : memref<1x1x512xi32, #tpu.memory_space<vmem>> -> memref<512xi32, #tpu.memory_space<vmem>>
        %dma_wait3A_108 = arith.constant 0 : i32
        %dma_wait3A_109 = arith.constant 0 : i32
        %dma_wait3A_110 = tpu.memref_slice %arg10[%dma_wait3A_108, %dma_wait3A_109] : memref<10000x32xf32, #tpu.memory_space<vmem_shared>> -> memref<10000x32xf32, #tpu.memory_space<vmem_shared>>
        tpu.wait_indirect_dma semaphore(%run_scoped3A_98 : memref<!tpu.dma_semaphore, #tpu.memory_space<semaphore_mem>>) src(%arg7 : memref<512x32xf32, #tpu.memory_space<vmem>>) dst(%dma_wait3A_110 : memref<10000x32xf32, #tpu.memory_space<vmem_shared>>)
        tpu.yield
      }) : () -> ()
      %add3A_60 = arith.constant 3 : i32
      %add3A_61 = arith.addi %mul3A_42, %add3A_60 : i32
      %dma_start3A_62 = arith.constant 0 : i32
      %dma_start3A_63 = arith.constant 0 : i32
      %dma_start3A_64 = tpu.memref_slice %arg6[%dma_start3A_62, %add3A_61, %dma_start3A_63] : memref<2x20x512xi32, #tpu.memory_space<vmem>> -> memref<1x1x512xi32, #tpu.memory_space<vmem>>
      %dma_start3A_65 = tpu.memref_squeeze %dma_start3A_64 : memref<1x1x512xi32, #tpu.memory_space<vmem>> -> memref<512xi32, #tpu.memory_space<vmem>>
      %dma_start3A_66 = arith.constant 0 : i32
      %dma_start3A_67 = arith.constant 0 : i32
      %dma_start3A_68 = tpu.memref_slice %arg2[%dma_start3A_66, %dma_start3A_67] : memref<10000x32xf32, #tpu.memory_space<hbm>> -> memref<10000x32xf32, #tpu.memory_space<hbm>>
      tpu.enqueue_indirect_dma source(%dma_start3A_68 : memref<10000x32xf32, #tpu.memory_space<hbm>>) target(%arg7 : memref<512x32xf32, #tpu.memory_space<vmem>>) offsets(%dma_start3A_65 : memref<512xi32, #tpu.memory_space<vmem>>) semaphore(%arg11 : memref<!tpu.dma_semaphore, #tpu.memory_space<semaphore_mem>>)
      %add3A_69 = arith.constant 1 : i32
      %add3A_70 = arith.addi %mul3A_42, %add3A_69 : i32
      %dma_wait3A_71 = arith.constant 0 : i32
      %dma_wait3A_72 = arith.constant 0 : i32
      %dma_wait3A_73 = tpu.memref_slice %arg6[%dma_wait3A_71, %add3A_70, %dma_wait3A_72] : memref<2x20x512xi32, #tpu.memory_space<vmem>> -> memref<1x1x512xi32, #tpu.memory_space<vmem>>
      %dma_wait3A_74 = tpu.memref_squeeze %dma_wait3A_73 : memref<1x1x512xi32, #tpu.memory_space<vmem>> -> memref<512xi32, #tpu.memory_space<vmem>>
      %dma_wait3A_75 = arith.constant 0 : i32
      %dma_wait3A_76 = arith.constant 0 : i32
      %dma_wait3A_77 = tpu.memref_slice %arg2[%dma_wait3A_75, %dma_wait3A_76] : memref<10000x32xf32, #tpu.memory_space<hbm>> -> memref<10000x32xf32, #tpu.memory_space<hbm>>
      tpu.wait_indirect_dma semaphore(%arg12 : memref<!tpu.dma_semaphore, #tpu.memory_space<semaphore_mem>>) src(%dma_wait3A_77 : memref<10000x32xf32, #tpu.memory_space<hbm>>) dst(%arg8 : memref<512x32xf32, #tpu.memory_space<vmem>>)
      %add3A_78 = arith.constant 1 : i32
      %add3A_79 = arith.addi %mul3A_42, %add3A_78 : i32
      %run_scoped3A_80 = arith.constant 1 : i32
      "tpu.region"() ({
        %run_scoped3A_98 = tpu.sem_alloc : memref<!tpu.dma_semaphore, #tpu.memory_space<semaphore_mem>>
        %dma_start3A_99 = arith.constant 0 : i32
        %dma_start3A_100 = tpu.memref_slice %arg6[%run_scoped3A_80, %add3A_79, %dma_start3A_99] : memref<2x20x512xi32, #tpu.memory_space<vmem>> -> memref<1x1x512xi32, #tpu.memory_space<vmem>>
        %dma_start3A_101 = tpu.memref_squeeze %dma_start3A_100 : memref<1x1x512xi32, #tpu.memory_space<vmem>> -> memref<512xi32, #tpu.memory_space<vmem>>
        %dma_start3A_102 = arith.constant 0 : i32
        %dma_start3A_103 = arith.constant 0 : i32
        %dma_start3A_104 = tpu.memref_slice %arg10[%dma_start3A_102, %dma_start3A_103] : memref<10000x32xf32, #tpu.memory_space<vmem_shared>> -> memref<10000x32xf32, #tpu.memory_space<vmem_shared>>
        tpu.enqueue_indirect_dma source(%arg8 : memref<512x32xf32, #tpu.memory_space<vmem>>) target(%dma_start3A_104 : memref<10000x32xf32, #tpu.memory_space<vmem_shared>>) offsets(%dma_start3A_101 : memref<512xi32, #tpu.memory_space<vmem>>) semaphore(%run_scoped3A_98 : memref<!tpu.dma_semaphore, #tpu.memory_space<semaphore_mem>>) {add = true}
        %dma_wait3A_105 = arith.constant 0 : i32
        %dma_wait3A_106 = tpu.memref_slice %arg6[%run_scoped3A_80, %add3A_79, %dma_wait3A_105] : memref<2x20x512xi32, #tpu.memory_space<vmem>> -> memref<1x1x512xi32, #tpu.memory_space<vmem>>
        %dma_wait3A_107 = tpu.memref_squeeze %dma_wait3A_106 : memref<1x1x512xi32, #tpu.memory_space<vmem>> -> memref<512xi32, #tpu.memory_space<vmem>>
        %dma_wait3A_108 = arith.constant 0 : i32
        %dma_wait3A_109 = arith.constant 0 : i32
        %dma_wait3A_110 = tpu.memref_slice %arg10[%dma_wait3A_108, %dma_wait3A_109] : memref<10000x32xf32, #tpu.memory_space<vmem_shared>> -> memref<10000x32xf32, #tpu.memory_space<vmem_shared>>
        tpu.wait_indirect_dma semaphore(%run_scoped3A_98 : memref<!tpu.dma_semaphore, #tpu.memory_space<semaphore_mem>>) src(%arg8 : memref<512x32xf32, #tpu.memory_space<vmem>>) dst(%dma_wait3A_110 : memref<10000x32xf32, #tpu.memory_space<vmem_shared>>)
        tpu.yield
      }) : () -> ()
      %lt3A_81 = arith.constant 5 : i32
      %lt3A_82 = arith.cmpi slt, %scan3A_40, %lt3A_81 : i32
      %or3A = arith.ori %lt3A_82, %lt3A_1 : i1
      %convert_element_type3A_83 = arith.extui %or3A : i1 to i32
      %cond3A_84 = arith.constant 0 : i32
      %cond3A_85 = arith.cmpi ne, %convert_element_type3A_83, %cond3A_84 : i32
      scf.if %cond3A_85 {
        %add3A_98 = arith.constant 4 : i32
        %add3A_99 = arith.addi %mul3A_42, %add3A_98 : i32
        %dma_start3A_100 = arith.constant 0 : i32
        %dma_start3A_101 = arith.constant 0 : i32
        %dma_start3A_102 = tpu.memref_slice %arg6[%dma_start3A_100, %add3A_99, %dma_start3A_101] : memref<2x20x512xi32, #tpu.memory_space<vmem>> -> memref<1x1x512xi32, #tpu.memory_space<vmem>>
        %dma_start3A_103 = tpu.memref_squeeze %dma_start3A_102 : memref<1x1x512xi32, #tpu.memory_space<vmem>> -> memref<512xi32, #tpu.memory_space<vmem>>
        %dma_start3A_104 = arith.constant 0 : i32
        %dma_start3A_105 = arith.constant 0 : i32
        %dma_start3A_106 = tpu.memref_slice %arg2[%dma_start3A_104, %dma_start3A_105] : memref<10000x32xf32, #tpu.memory_space<hbm>> -> memref<10000x32xf32, #tpu.memory_space<hbm>>
        tpu.enqueue_indirect_dma source(%dma_start3A_106 : memref<10000x32xf32, #tpu.memory_space<hbm>>) target(%arg8 : memref<512x32xf32, #tpu.memory_space<vmem>>) offsets(%dma_start3A_103 : memref<512xi32, #tpu.memory_space<vmem>>) semaphore(%arg12 : memref<!tpu.dma_semaphore, #tpu.memory_space<semaphore_mem>>)
      } else {
      }
      %add3A_86 = arith.constant 2 : i32
      %add3A_87 = arith.addi %mul3A_42, %add3A_86 : i32
      %dma_wait3A_88 = arith.constant 0 : i32
      %dma_wait3A_89 = arith.constant 0 : i32
      %dma_wait3A_90 = tpu.memref_slice %arg6[%dma_wait3A_88, %add3A_87, %dma_wait3A_89] : memref<2x20x512xi32, #tpu.memory_space<vmem>> -> memref<1x1x512xi32, #tpu.memory_space<vmem>>
      %dma_wait3A_91 = tpu.memref_squeeze %dma_wait3A_90 : memref<1x1x512xi32, #tpu.memory_space<vmem>> -> memref<512xi32, #tpu.memory_space<vmem>>
      %dma_wait3A_92 = arith.constant 0 : i32
      %dma_wait3A_93 = arith.constant 0 : i32
      %dma_wait3A_94 = tpu.memref_slice %arg2[%dma_wait3A_92, %dma_wait3A_93] : memref<10000x32xf32, #tpu.memory_space<hbm>> -> memref<10000x32xf32, #tpu.memory_space<hbm>>
      tpu.wait_indirect_dma semaphore(%arg13 : memref<!tpu.dma_semaphore, #tpu.memory_space<semaphore_mem>>) src(%dma_wait3A_94 : memref<10000x32xf32, #tpu.memory_space<hbm>>) dst(%arg9 : memref<512x32xf32, #tpu.memory_space<vmem>>)
      %add3A_95 = arith.constant 2 : i32
      %add3A_96 = arith.addi %mul3A_42, %add3A_95 : i32
      %run_scoped3A_97 = arith.constant 1 : i32
      "tpu.region"() ({
        %run_scoped3A_98 = tpu.sem_alloc : memref<!tpu.dma_semaphore, #tpu.memory_space<semaphore_mem>>
        %dma_start3A_99 = arith.constant 0 : i32
        %dma_start3A_100 = tpu.memref_slice %arg6[%run_scoped3A_97, %add3A_96, %dma_start3A_99] : memref<2x20x512xi32, #tpu.memory_space<vmem>> -> memref<1x1x512xi32, #tpu.memory_space<vmem>>
        %dma_start3A_101 = tpu.memref_squeeze %dma_start3A_100 : memref<1x1x512xi32, #tpu.memory_space<vmem>> -> memref<512xi32, #tpu.memory_space<vmem>>
        %dma_start3A_102 = arith.constant 0 : i32
        %dma_start3A_103 = arith.constant 0 : i32
        %dma_start3A_104 = tpu.memref_slice %arg10[%dma_start3A_102, %dma_start3A_103] : memref<10000x32xf32, #tpu.memory_space<vmem_shared>> -> memref<10000x32xf32, #tpu.memory_space<vmem_shared>>
        tpu.enqueue_indirect_dma source(%arg9 : memref<512x32xf32, #tpu.memory_space<vmem>>) target(%dma_start3A_104 : memref<10000x32xf32, #tpu.memory_space<vmem_shared>>) offsets(%dma_start3A_101 : memref<512xi32, #tpu.memory_space<vmem>>) semaphore(%run_scoped3A_98 : memref<!tpu.dma_semaphore, #tpu.memory_space<semaphore_mem>>) {add = true}
        %dma_wait3A_105 = arith.constant 0 : i32
        %dma_wait3A_106 = tpu.memref_slice %arg6[%run_scoped3A_97, %add3A_96, %dma_wait3A_105] : memref<2x20x512xi32, #tpu.memory_space<vmem>> -> memref<1x1x512xi32, #tpu.memory_space<vmem>>
        %dma_wait3A_107 = tpu.memref_squeeze %dma_wait3A_106 : memref<1x1x512xi32, #tpu.memory_space<vmem>> -> memref<512xi32, #tpu.memory_space<vmem>>
        %dma_wait3A_108 = arith.constant 0 : i32
        %dma_wait3A_109 = arith.constant 0 : i32
        %dma_wait3A_110 = tpu.memref_slice %arg10[%dma_wait3A_108, %dma_wait3A_109] : memref<10000x32xf32, #tpu.memory_space<vmem_shared>> -> memref<10000x32xf32, #tpu.memory_space<vmem_shared>>
        tpu.wait_indirect_dma semaphore(%run_scoped3A_98 : memref<!tpu.dma_semaphore, #tpu.memory_space<semaphore_mem>>) src(%arg9 : memref<512x32xf32, #tpu.memory_space<vmem>>) dst(%dma_wait3A_110 : memref<10000x32xf32, #tpu.memory_space<vmem_shared>>)
        tpu.yield
      }) : () -> ()
    }
    %scan3A_27 = arith.constant 6 : i32
    %dma_wait3A = arith.constant 0 : i32
    %dma_wait3A_28 = arith.constant 18 : i32
    %dma_wait3A_29 = arith.constant 0 : i32
    %dma_wait3A_30 = tpu.memref_slice %arg6[%dma_wait3A, %dma_wait3A_28, %dma_wait3A_29] : memref<2x20x512xi32, #tpu.memory_space<vmem>> -> memref<1x1x512xi32, #tpu.memory_space<vmem>>
    %dma_wait3A_31 = tpu.memref_squeeze %dma_wait3A_30 : memref<1x1x512xi32, #tpu.memory_space<vmem>> -> memref<512xi32, #tpu.memory_space<vmem>>
    %dma_wait3A_32 = arith.constant 0 : i32
    %dma_wait3A_33 = arith.constant 0 : i32
    %dma_wait3A_34 = tpu.memref_slice %arg2[%dma_wait3A_32, %dma_wait3A_33] : memref<10000x32xf32, #tpu.memory_space<hbm>> -> memref<10000x32xf32, #tpu.memory_space<hbm>>
    tpu.wait_indirect_dma semaphore(%arg11 : memref<!tpu.dma_semaphore, #tpu.memory_space<semaphore_mem>>) src(%dma_wait3A_34 : memref<10000x32xf32, #tpu.memory_space<hbm>>) dst(%arg7 : memref<512x32xf32, #tpu.memory_space<vmem>>)
    %run_scoped3A = arith.constant 1 : i32
    %run_scoped3A_35 = arith.constant 18 : i32
    "tpu.region"() ({
      %run_scoped3A_40 = tpu.sem_alloc : memref<!tpu.dma_semaphore, #tpu.memory_space<semaphore_mem>>
      %dma_start3A_41 = arith.constant 0 : i32
      %dma_start3A_42 = tpu.memref_slice %arg6[%run_scoped3A, %run_scoped3A_35, %dma_start3A_41] : memref<2x20x512xi32, #tpu.memory_space<vmem>> -> memref<1x1x512xi32, #tpu.memory_space<vmem>>
      %dma_start3A_43 = tpu.memref_squeeze %dma_start3A_42 : memref<1x1x512xi32, #tpu.memory_space<vmem>> -> memref<512xi32, #tpu.memory_space<vmem>>
      %dma_start3A_44 = arith.constant 0 : i32
      %dma_start3A_45 = arith.constant 0 : i32
      %dma_start3A_46 = tpu.memref_slice %arg10[%dma_start3A_44, %dma_start3A_45] : memref<10000x32xf32, #tpu.memory_space<vmem_shared>> -> memref<10000x32xf32, #tpu.memory_space<vmem_shared>>
      tpu.enqueue_indirect_dma source(%arg7 : memref<512x32xf32, #tpu.memory_space<vmem>>) target(%dma_start3A_46 : memref<10000x32xf32, #tpu.memory_space<vmem_shared>>) offsets(%dma_start3A_43 : memref<512xi32, #tpu.memory_space<vmem>>) semaphore(%run_scoped3A_40 : memref<!tpu.dma_semaphore, #tpu.memory_space<semaphore_mem>>) {add = true}
      %dma_wait3A_47 = arith.constant 0 : i32
      %dma_wait3A_48 = tpu.memref_slice %arg6[%run_scoped3A, %run_scoped3A_35, %dma_wait3A_47] : memref<2x20x512xi32, #tpu.memory_space<vmem>> -> memref<1x1x512xi32, #tpu.memory_space<vmem>>
      %dma_wait3A_49 = tpu.memref_squeeze %dma_wait3A_48 : memref<1x1x512xi32, #tpu.memory_space<vmem>> -> memref<512xi32, #tpu.memory_space<vmem>>
      %dma_wait3A_50 = arith.constant 0 : i32
      %dma_wait3A_51 = arith.constant 0 : i32
      %dma_wait3A_52 = tpu.memref_slice %arg10[%dma_wait3A_50, %dma_wait3A_51] : memref<10000x32xf32, #tpu.memory_space<vmem_shared>> -> memref<10000x32xf32, #tpu.memory_space<vmem_shared>>
      tpu.wait_indirect_dma semaphore(%run_scoped3A_40 : memref<!tpu.dma_semaphore, #tpu.memory_space<semaphore_mem>>) src(%arg7 : memref<512x32xf32, #tpu.memory_space<vmem>>) dst(%dma_wait3A_52 : memref<10000x32xf32, #tpu.memory_space<vmem_shared>>)
      tpu.yield
    }) : () -> ()
    %convert_element_type3A_36 = arith.extui %lt3A_1 : i1 to i32
    %cond3A_37 = arith.constant 0 : i32
    %cond3A_38 = arith.cmpi ne, %convert_element_type3A_36, %cond3A_37 : i32
    scf.if %cond3A_38 {
      %dma_wait3A_40 = arith.constant 0 : i32
      %dma_wait3A_41 = arith.constant 19 : i32
      %dma_wait3A_42 = arith.constant 0 : i32
      %dma_wait3A_43 = tpu.memref_slice %arg6[%dma_wait3A_40, %dma_wait3A_41, %dma_wait3A_42] : memref<2x20x512xi32, #tpu.memory_space<vmem>> -> memref<1x1x512xi32, #tpu.memory_space<vmem>>
      %dma_wait3A_44 = tpu.memref_squeeze %dma_wait3A_43 : memref<1x1x512xi32, #tpu.memory_space<vmem>> -> memref<512xi32, #tpu.memory_space<vmem>>
      %dma_wait3A_45 = arith.constant 0 : i32
      %dma_wait3A_46 = arith.constant 0 : i32
      %dma_wait3A_47 = tpu.memref_slice %arg2[%dma_wait3A_45, %dma_wait3A_46] : memref<10000x32xf32, #tpu.memory_space<hbm>> -> memref<10000x32xf32, #tpu.memory_space<hbm>>
      tpu.wait_indirect_dma semaphore(%arg12 : memref<!tpu.dma_semaphore, #tpu.memory_space<semaphore_mem>>) src(%dma_wait3A_47 : memref<10000x32xf32, #tpu.memory_space<hbm>>) dst(%arg8 : memref<512x32xf32, #tpu.memory_space<vmem>>)
      %run_scoped3A_48 = arith.constant 1 : i32
      %run_scoped3A_49 = arith.constant 19 : i32
      "tpu.region"() ({
        %run_scoped3A_50 = tpu.sem_alloc : memref<!tpu.dma_semaphore, #tpu.memory_space<semaphore_mem>>
        %dma_start3A_51 = arith.constant 0 : i32
        %dma_start3A_52 = tpu.memref_slice %arg6[%run_scoped3A_48, %run_scoped3A_49, %dma_start3A_51] : memref<2x20x512xi32, #tpu.memory_space<vmem>> -> memref<1x1x512xi32, #tpu.memory_space<vmem>>
        %dma_start3A_53 = tpu.memref_squeeze %dma_start3A_52 : memref<1x1x512xi32, #tpu.memory_space<vmem>> -> memref<512xi32, #tpu.memory_space<vmem>>
        %dma_start3A_54 = arith.constant 0 : i32
        %dma_start3A_55 = arith.constant 0 : i32
        %dma_start3A_56 = tpu.memref_slice %arg10[%dma_start3A_54, %dma_start3A_55] : memref<10000x32xf32, #tpu.memory_space<vmem_shared>> -> memref<10000x32xf32, #tpu.memory_space<vmem_shared>>
        tpu.enqueue_indirect_dma source(%arg8 : memref<512x32xf32, #tpu.memory_space<vmem>>) target(%dma_start3A_56 : memref<10000x32xf32, #tpu.memory_space<vmem_shared>>) offsets(%dma_start3A_53 : memref<512xi32, #tpu.memory_space<vmem>>) semaphore(%run_scoped3A_50 : memref<!tpu.dma_semaphore, #tpu.memory_space<semaphore_mem>>) {add = true}
        %dma_wait3A_57 = arith.constant 0 : i32
        %dma_wait3A_58 = tpu.memref_slice %arg6[%run_scoped3A_48, %run_scoped3A_49, %dma_wait3A_57] : memref<2x20x512xi32, #tpu.memory_space<vmem>> -> memref<1x1x512xi32, #tpu.memory_space<vmem>>
        %dma_wait3A_59 = tpu.memref_squeeze %dma_wait3A_58 : memref<1x1x512xi32, #tpu.memory_space<vmem>> -> memref<512xi32, #tpu.memory_space<vmem>>
        %dma_wait3A_60 = arith.constant 0 : i32
        %dma_wait3A_61 = arith.constant 0 : i32
        %dma_wait3A_62 = tpu.memref_slice %arg10[%dma_wait3A_60, %dma_wait3A_61] : memref<10000x32xf32, #tpu.memory_space<vmem_shared>> -> memref<10000x32xf32, #tpu.memory_space<vmem_shared>>
        tpu.wait_indirect_dma semaphore(%run_scoped3A_50 : memref<!tpu.dma_semaphore, #tpu.memory_space<semaphore_mem>>) src(%arg8 : memref<512x32xf32, #tpu.memory_space<vmem>>) dst(%dma_wait3A_62 : memref<10000x32xf32, #tpu.memory_space<vmem_shared>>)
        tpu.yield
      }) : () -> ()
    } else {
    }
    %barrier3A_39 = arith.constant 0 : index
    tpu.barrier barrier_id(%barrier3A_39)
    "tpu.region"() ({
      %run_scoped3A_40 = tpu.sem_alloc : memref<!tpu.dma_semaphore, #tpu.memory_space<semaphore_mem>>
      %dma_start3A_41 = arith.constant 0 : i32
      %dma_start3A_42 = tpu.memref_slice %arg5[%arg0, %mul3A_23, %dma_start3A_41] : memref<2x10000x128xf32, #tpu.memory_space<hbm>> -> memref<1x625x32xf32, #tpu.memory_space<hbm>>
      %dma_start3A_43 = tpu.memref_squeeze %dma_start3A_42 : memref<1x625x32xf32, #tpu.memory_space<hbm>> -> memref<625x32xf32, #tpu.memory_space<hbm>>
      %dma_start3A_44 = arith.constant 0 : i32
      %dma_start3A_45 = tpu.memref_slice %arg10[%mul3A_23, %dma_start3A_44] : memref<10000x32xf32, #tpu.memory_space<vmem_shared>> -> memref<625x32xf32, #tpu.memory_space<vmem_shared>>
      tpu.enqueue_dma source(%dma_start3A_45 : memref<625x32xf32, #tpu.memory_space<vmem_shared>>) target(%dma_start3A_43 : memref<625x32xf32, #tpu.memory_space<hbm>>) target_semaphore(%run_scoped3A_40 : memref<!tpu.dma_semaphore, #tpu.memory_space<semaphore_mem>>)
      %dma_wait3A_46 = arith.constant 0 : i32
      %dma_wait3A_47 = tpu.memref_slice %arg5[%arg0, %mul3A_23, %dma_wait3A_46] : memref<2x10000x128xf32, #tpu.memory_space<hbm>> -> memref<1x625x32xf32, #tpu.memory_space<hbm>>
      %dma_wait3A_48 = tpu.memref_squeeze %dma_wait3A_47 : memref<1x625x32xf32, #tpu.memory_space<hbm>> -> memref<625x32xf32, #tpu.memory_space<hbm>>
      %dma_wait3A_49 = arith.constant 0 : i32
      %dma_wait3A_50 = tpu.memref_slice %arg10[%mul3A_23, %dma_wait3A_49] : memref<10000x32xf32, #tpu.memory_space<vmem_shared>> -> memref<625x32xf32, #tpu.memory_space<vmem_shared>>
      tpu.wait_dma2 semaphore(%run_scoped3A_40 : memref<!tpu.dma_semaphore, #tpu.memory_space<semaphore_mem>>) src(%dma_wait3A_50 : memref<625x32xf32, #tpu.memory_space<vmem_shared>>) dst(%dma_wait3A_48 : memref<625x32xf32, #tpu.memory_space<hbm>>)
      tpu.yield
    }) : () -> ()
    return
  }
}

#map = affine_map<(d0, d1) -> (0, 0)>
#map1 = affine_map<(d0, d1) -> (0, 0, 0)>
module attributes {stable_mosaic.version = 14 : i64} {
  func.func @body(%arg0: i32, %arg1: i32, %arg2: memref<10000x72xf32, #tpu.memory_space<hbm>>, %arg3: memref<2x1250x256xi32, #tpu.memory_space<hbm>>, %arg4: memref<10000x72xf32, #tpu.memory_space<hbm>>, %arg5: memref<2x10000x128xf32, #tpu.memory_space<hbm>>, %arg6: memref<2x40x256xi32, #tpu.memory_space<vmem>>, %arg7: memref<256x72xf32, #tpu.memory_space<vmem>>, %arg8: memref<256x72xf32, #tpu.memory_space<vmem>>, %arg9: memref<256x72xf32, #tpu.memory_space<vmem>>, %arg10: memref<10000x72xf32, #tpu.memory_space<vmem_shared>>, %arg11: memref<!tpu.dma_semaphore, #tpu.memory_space<semaphore_mem>>, %arg12: memref<!tpu.dma_semaphore, #tpu.memory_space<semaphore_mem>>, %arg13: memref<!tpu.dma_semaphore, #tpu.memory_space<semaphore_mem>>) attributes {dimension_semantics = [#tpu.dimension_semantics<core_parallel>, #tpu.dimension_semantics<subcore_parallel>], iteration_bounds = array<i64: 2, 16>, scalar_prefetch = 0 : i64, scratch_operands = 8 : i64, tpu.core_type = #tpu.core_type<sc_vector_subcore>, window_params = [{transform_indices = #map}, {transform_indices = #map1}, {transform_indices = #map}, {transform_indices = #map1}]} {
    %mul3A = arith.constant 16 : i32
    %mul3A_0 = arith.muli %arg0, %mul3A : i32
    %add3A = arith.addi %mul3A_0, %arg1 : i32
    %lt3A = arith.constant 2 : i32
    %lt3A_1 = arith.cmpi slt, %add3A, %lt3A : i32
    %mul3A_2 = arith.constant 39 : i32
    %mul3A_3 = arith.muli %add3A, %mul3A_2 : i32
    "tpu.region"() ({
      %run_scoped3A = tpu.sem_alloc : memref<!tpu.dma_semaphore, #tpu.memory_space<semaphore_mem>>
      %dma_start3A_30 = arith.constant 0 : i32
      %dma_start3A_31 = arith.constant 0 : i32
      %dma_start3A_32 = arith.constant 0 : i32
      %dma_start3A_33 = tpu.memref_slice %arg6[%dma_start3A_30, %dma_start3A_31, %dma_start3A_32] : memref<2x40x256xi32, #tpu.memory_space<vmem>> -> memref<2x39x256xi32, #tpu.memory_space<vmem>>
      %dma_start3A_34 = arith.constant 0 : i32
      %dma_start3A_35 = arith.constant 0 : i32
      %dma_start3A_36 = tpu.memref_slice %arg3[%dma_start3A_34, %mul3A_3, %dma_start3A_35] : memref<2x1250x256xi32, #tpu.memory_space<hbm>> -> memref<2x39x256xi32, #tpu.memory_space<hbm>>
      %dma_start3A_37 = arith.constant 0 : i32
      %dma_start3A_38 = arith.constant 0 : i32
      %dma_start3A_39 = arith.constant 0 : i32
      %dma_start3A_40 = tpu.memref_slice %arg6[%dma_start3A_37, %dma_start3A_38, %dma_start3A_39] : memref<2x40x256xi32, #tpu.memory_space<vmem>> -> memref<2x39x256xi32, #tpu.memory_space<vmem>>
      %dma_start3A_41 = arith.constant 0 : i32
      %dma_start3A_42 = arith.constant 0 : i32
      %dma_start3A_43 = tpu.memref_slice %arg3[%dma_start3A_41, %mul3A_3, %dma_start3A_42] : memref<2x1250x256xi32, #tpu.memory_space<hbm>> -> memref<2x39x256xi32, #tpu.memory_space<hbm>>
      tpu.enqueue_dma source(%dma_start3A_43 : memref<2x39x256xi32, #tpu.memory_space<hbm>>) target(%dma_start3A_40 : memref<2x39x256xi32, #tpu.memory_space<vmem>>) target_semaphore(%run_scoped3A : memref<!tpu.dma_semaphore, #tpu.memory_space<semaphore_mem>>)
      %dma_wait3A = arith.constant 0 : i32
      %dma_wait3A_44 = arith.constant 0 : i32
      %dma_wait3A_45 = arith.constant 0 : i32
      %dma_wait3A_46 = tpu.memref_slice %arg6[%dma_wait3A, %dma_wait3A_44, %dma_wait3A_45] : memref<2x40x256xi32, #tpu.memory_space<vmem>> -> memref<2x39x256xi32, #tpu.memory_space<vmem>>
      %dma_wait3A_47 = arith.constant 0 : i32
      %dma_wait3A_48 = arith.constant 0 : i32
      %dma_wait3A_49 = tpu.memref_slice %arg3[%dma_wait3A_47, %mul3A_3, %dma_wait3A_48] : memref<2x1250x256xi32, #tpu.memory_space<hbm>> -> memref<2x39x256xi32, #tpu.memory_space<hbm>>
      %dma_wait3A_50 = arith.constant 0 : i32
      %dma_wait3A_51 = arith.constant 0 : i32
      %dma_wait3A_52 = arith.constant 0 : i32
      %dma_wait3A_53 = tpu.memref_slice %arg6[%dma_wait3A_50, %dma_wait3A_51, %dma_wait3A_52] : memref<2x40x256xi32, #tpu.memory_space<vmem>> -> memref<2x39x256xi32, #tpu.memory_space<vmem>>
      %dma_wait3A_54 = arith.constant 0 : i32
      %dma_wait3A_55 = arith.constant 0 : i32
      %dma_wait3A_56 = tpu.memref_slice %arg3[%dma_wait3A_54, %mul3A_3, %dma_wait3A_55] : memref<2x1250x256xi32, #tpu.memory_space<hbm>> -> memref<2x39x256xi32, #tpu.memory_space<hbm>>
      tpu.wait_dma2 semaphore(%run_scoped3A : memref<!tpu.dma_semaphore, #tpu.memory_space<semaphore_mem>>) src(%dma_wait3A_56 : memref<2x39x256xi32, #tpu.memory_space<hbm>>) dst(%dma_wait3A_53 : memref<2x39x256xi32, #tpu.memory_space<vmem>>)
      tpu.yield
    }) : () -> ()
    %convert_element_type3A = arith.extui %lt3A_1 : i1 to i32
    %cond3A = arith.constant 0 : i32
    %cond3A_4 = arith.cmpi ne, %convert_element_type3A, %cond3A : i32
    scf.if %cond3A_4 {
      %add3A_30 = arith.constant 1248 : i32
      %add3A_31 = arith.addi %add3A_30, %add3A : i32
      "tpu.region"() ({
        %run_scoped3A = tpu.sem_alloc : memref<!tpu.dma_semaphore, #tpu.memory_space<semaphore_mem>>
        %dma_start3A_32 = arith.constant 0 : i32
        %dma_start3A_33 = arith.constant 39 : i32
        %dma_start3A_34 = arith.constant 0 : i32
        %dma_start3A_35 = tpu.memref_slice %arg6[%dma_start3A_32, %dma_start3A_33, %dma_start3A_34] : memref<2x40x256xi32, #tpu.memory_space<vmem>> -> memref<2x1x256xi32, #tpu.memory_space<vmem>>
        %dma_start3A_36 = arith.constant 0 : i32
        %dma_start3A_37 = arith.constant 0 : i32
        %dma_start3A_38 = tpu.memref_slice %arg3[%dma_start3A_36, %add3A_31, %dma_start3A_37] : memref<2x1250x256xi32, #tpu.memory_space<hbm>> -> memref<2x1x256xi32, #tpu.memory_space<hbm>>
        %dma_start3A_39 = arith.constant 0 : i32
        %dma_start3A_40 = arith.constant 39 : i32
        %dma_start3A_41 = arith.constant 0 : i32
        %dma_start3A_42 = tpu.memref_slice %arg6[%dma_start3A_39, %dma_start3A_40, %dma_start3A_41] : memref<2x40x256xi32, #tpu.memory_space<vmem>> -> memref<2x1x256xi32, #tpu.memory_space<vmem>>
        %dma_start3A_43 = arith.constant 0 : i32
        %dma_start3A_44 = arith.constant 0 : i32
        %dma_start3A_45 = tpu.memref_slice %arg3[%dma_start3A_43, %add3A_31, %dma_start3A_44] : memref<2x1250x256xi32, #tpu.memory_space<hbm>> -> memref<2x1x256xi32, #tpu.memory_space<hbm>>
        tpu.enqueue_dma source(%dma_start3A_45 : memref<2x1x256xi32, #tpu.memory_space<hbm>>) target(%dma_start3A_42 : memref<2x1x256xi32, #tpu.memory_space<vmem>>) target_semaphore(%run_scoped3A : memref<!tpu.dma_semaphore, #tpu.memory_space<semaphore_mem>>)
        %dma_wait3A = arith.constant 0 : i32
        %dma_wait3A_46 = arith.constant 39 : i32
        %dma_wait3A_47 = arith.constant 0 : i32
        %dma_wait3A_48 = tpu.memref_slice %arg6[%dma_wait3A, %dma_wait3A_46, %dma_wait3A_47] : memref<2x40x256xi32, #tpu.memory_space<vmem>> -> memref<2x1x256xi32, #tpu.memory_space<vmem>>
        %dma_wait3A_49 = arith.constant 0 : i32
        %dma_wait3A_50 = arith.constant 0 : i32
        %dma_wait3A_51 = tpu.memref_slice %arg3[%dma_wait3A_49, %add3A_31, %dma_wait3A_50] : memref<2x1250x256xi32, #tpu.memory_space<hbm>> -> memref<2x1x256xi32, #tpu.memory_space<hbm>>
        %dma_wait3A_52 = arith.constant 0 : i32
        %dma_wait3A_53 = arith.constant 39 : i32
        %dma_wait3A_54 = arith.constant 0 : i32
        %dma_wait3A_55 = tpu.memref_slice %arg6[%dma_wait3A_52, %dma_wait3A_53, %dma_wait3A_54] : memref<2x40x256xi32, #tpu.memory_space<vmem>> -> memref<2x1x256xi32, #tpu.memory_space<vmem>>
        %dma_wait3A_56 = arith.constant 0 : i32
        %dma_wait3A_57 = arith.constant 0 : i32
        %dma_wait3A_58 = tpu.memref_slice %arg3[%dma_wait3A_56, %add3A_31, %dma_wait3A_57] : memref<2x1250x256xi32, #tpu.memory_space<hbm>> -> memref<2x1x256xi32, #tpu.memory_space<hbm>>
        tpu.wait_dma2 semaphore(%run_scoped3A : memref<!tpu.dma_semaphore, #tpu.memory_space<semaphore_mem>>) src(%dma_wait3A_58 : memref<2x1x256xi32, #tpu.memory_space<hbm>>) dst(%dma_wait3A_55 : memref<2x1x256xi32, #tpu.memory_space<vmem>>)
        tpu.yield
      }) : () -> ()
    } else {
    }
    %dma_start3A = arith.constant 0 : i32
    %dma_start3A_5 = arith.constant 0 : i32
    %dma_start3A_6 = arith.constant 0 : i32
    %dma_start3A_7 = tpu.memref_slice %arg6[%dma_start3A, %dma_start3A_5, %dma_start3A_6] : memref<2x40x256xi32, #tpu.memory_space<vmem>> -> memref<1x1x256xi32, #tpu.memory_space<vmem>>
    %dma_start3A_8 = tpu.memref_squeeze %dma_start3A_7 : memref<1x1x256xi32, #tpu.memory_space<vmem>> -> memref<256xi32, #tpu.memory_space<vmem>>
    %dma_start3A_9 = arith.constant 0 : i32
    %dma_start3A_10 = arith.constant 0 : i32
    %dma_start3A_11 = tpu.memref_slice %arg2[%dma_start3A_9, %dma_start3A_10] : memref<10000x72xf32, #tpu.memory_space<hbm>> -> memref<10000x72xf32, #tpu.memory_space<hbm>>
    tpu.enqueue_indirect_dma source(%dma_start3A_11 : memref<10000x72xf32, #tpu.memory_space<hbm>>) target(%arg7 : memref<256x72xf32, #tpu.memory_space<vmem>>) offsets(%dma_start3A_8 : memref<256xi32, #tpu.memory_space<vmem>>) semaphore(%arg11 : memref<!tpu.dma_semaphore, #tpu.memory_space<semaphore_mem>>)
    %dma_start3A_12 = arith.constant 0 : i32
    %dma_start3A_13 = arith.constant 1 : i32
    %dma_start3A_14 = arith.constant 0 : i32
    %dma_start3A_15 = tpu.memref_slice %arg6[%dma_start3A_12, %dma_start3A_13, %dma_start3A_14] : memref<2x40x256xi32, #tpu.memory_space<vmem>> -> memref<1x1x256xi32, #tpu.memory_space<vmem>>
    %dma_start3A_16 = tpu.memref_squeeze %dma_start3A_15 : memref<1x1x256xi32, #tpu.memory_space<vmem>> -> memref<256xi32, #tpu.memory_space<vmem>>
    %dma_start3A_17 = arith.constant 0 : i32
    %dma_start3A_18 = arith.constant 0 : i32
    %dma_start3A_19 = tpu.memref_slice %arg2[%dma_start3A_17, %dma_start3A_18] : memref<10000x72xf32, #tpu.memory_space<hbm>> -> memref<10000x72xf32, #tpu.memory_space<hbm>>
    tpu.enqueue_indirect_dma source(%dma_start3A_19 : memref<10000x72xf32, #tpu.memory_space<hbm>>) target(%arg8 : memref<256x72xf32, #tpu.memory_space<vmem>>) offsets(%dma_start3A_16 : memref<256xi32, #tpu.memory_space<vmem>>) semaphore(%arg12 : memref<!tpu.dma_semaphore, #tpu.memory_space<semaphore_mem>>)
    %mul3A_20 = arith.constant 625 : i32
    %mul3A_21 = arith.muli %arg1, %mul3A_20 : i32
    "tpu.region"() ({
      %run_scoped3A = tpu.sem_alloc : memref<!tpu.dma_semaphore, #tpu.memory_space<semaphore_mem>>
      %dma_start3A_30 = arith.constant 0 : i32
      %dma_start3A_31 = tpu.memref_slice %arg10[%mul3A_21, %dma_start3A_30] : memref<10000x72xf32, #tpu.memory_space<vmem_shared>> -> memref<625x72xf32, #tpu.memory_space<vmem_shared>>
      %dma_start3A_32 = arith.constant 0 : i32
      %dma_start3A_33 = tpu.memref_slice %arg4[%mul3A_21, %dma_start3A_32] : memref<10000x72xf32, #tpu.memory_space<hbm>> -> memref<625x72xf32, #tpu.memory_space<hbm>>
      tpu.enqueue_dma source(%dma_start3A_33 : memref<625x72xf32, #tpu.memory_space<hbm>>) target(%dma_start3A_31 : memref<625x72xf32, #tpu.memory_space<vmem_shared>>) target_semaphore(%run_scoped3A : memref<!tpu.dma_semaphore, #tpu.memory_space<semaphore_mem>>)
      %dma_wait3A = arith.constant 0 : i32
      %dma_wait3A_34 = tpu.memref_slice %arg10[%mul3A_21, %dma_wait3A] : memref<10000x72xf32, #tpu.memory_space<vmem_shared>> -> memref<625x72xf32, #tpu.memory_space<vmem_shared>>
      %dma_wait3A_35 = arith.constant 0 : i32
      %dma_wait3A_36 = tpu.memref_slice %arg4[%mul3A_21, %dma_wait3A_35] : memref<10000x72xf32, #tpu.memory_space<hbm>> -> memref<625x72xf32, #tpu.memory_space<hbm>>
      tpu.wait_dma2 semaphore(%run_scoped3A : memref<!tpu.dma_semaphore, #tpu.memory_space<semaphore_mem>>) src(%dma_wait3A_36 : memref<625x72xf32, #tpu.memory_space<hbm>>) dst(%dma_wait3A_34 : memref<625x72xf32, #tpu.memory_space<vmem_shared>>)
      tpu.yield
    }) : () -> ()
    %barrier3A = arith.constant 0 : index
    tpu.barrier barrier_id(%barrier3A)
    %scan3A = arith.constant 0 : i32
    %scan3A_22 = arith.constant 13 : i32
    %scan3A_23 = arith.addi %scan3A, %scan3A_22 : i32
    %scan3A_24 = arith.constant 1 : i32
    scf.for %scan3A_30 = %scan3A to %scan3A_23 step %scan3A_24  : i32 {
      %mul3A_31 = arith.constant 3 : i32
      %mul3A_32 = arith.muli %mul3A_31, %scan3A_30 : i32
      %add3A_33 = arith.constant 2 : i32
      %add3A_34 = arith.addi %mul3A_32, %add3A_33 : i32
      %dma_start3A_35 = arith.constant 0 : i32
      %dma_start3A_36 = arith.constant 0 : i32
      %dma_start3A_37 = tpu.memref_slice %arg6[%dma_start3A_35, %add3A_34, %dma_start3A_36] : memref<2x40x256xi32, #tpu.memory_space<vmem>> -> memref<1x1x256xi32, #tpu.memory_space<vmem>>
      %dma_start3A_38 = tpu.memref_squeeze %dma_start3A_37 : memref<1x1x256xi32, #tpu.memory_space<vmem>> -> memref<256xi32, #tpu.memory_space<vmem>>
      %dma_start3A_39 = arith.constant 0 : i32
      %dma_start3A_40 = arith.constant 0 : i32
      %dma_start3A_41 = tpu.memref_slice %arg2[%dma_start3A_39, %dma_start3A_40] : memref<10000x72xf32, #tpu.memory_space<hbm>> -> memref<10000x72xf32, #tpu.memory_space<hbm>>
      tpu.enqueue_indirect_dma source(%dma_start3A_41 : memref<10000x72xf32, #tpu.memory_space<hbm>>) target(%arg9 : memref<256x72xf32, #tpu.memory_space<vmem>>) offsets(%dma_start3A_38 : memref<256xi32, #tpu.memory_space<vmem>>) semaphore(%arg13 : memref<!tpu.dma_semaphore, #tpu.memory_space<semaphore_mem>>)
      %dma_wait3A = arith.constant 0 : i32
      %dma_wait3A_42 = arith.constant 0 : i32
      %dma_wait3A_43 = tpu.memref_slice %arg6[%dma_wait3A, %mul3A_32, %dma_wait3A_42] : memref<2x40x256xi32, #tpu.memory_space<vmem>> -> memref<1x1x256xi32, #tpu.memory_space<vmem>>
      %dma_wait3A_44 = tpu.memref_squeeze %dma_wait3A_43 : memref<1x1x256xi32, #tpu.memory_space<vmem>> -> memref<256xi32, #tpu.memory_space<vmem>>
      %dma_wait3A_45 = arith.constant 0 : i32
      %dma_wait3A_46 = arith.constant 0 : i32
      %dma_wait3A_47 = tpu.memref_slice %arg2[%dma_wait3A_45, %dma_wait3A_46] : memref<10000x72xf32, #tpu.memory_space<hbm>> -> memref<10000x72xf32, #tpu.memory_space<hbm>>
      tpu.wait_indirect_dma semaphore(%arg11 : memref<!tpu.dma_semaphore, #tpu.memory_space<semaphore_mem>>) src(%dma_wait3A_47 : memref<10000x72xf32, #tpu.memory_space<hbm>>) dst(%arg7 : memref<256x72xf32, #tpu.memory_space<vmem>>)
      %run_scoped3A = arith.constant 1 : i32
      "tpu.region"() ({
        %run_scoped3A_82 = tpu.sem_alloc : memref<!tpu.dma_semaphore, #tpu.memory_space<semaphore_mem>>
        %dma_start3A_83 = arith.constant 0 : i32
        %dma_start3A_84 = tpu.memref_slice %arg6[%run_scoped3A, %mul3A_32, %dma_start3A_83] : memref<2x40x256xi32, #tpu.memory_space<vmem>> -> memref<1x1x256xi32, #tpu.memory_space<vmem>>
        %dma_start3A_85 = tpu.memref_squeeze %dma_start3A_84 : memref<1x1x256xi32, #tpu.memory_space<vmem>> -> memref<256xi32, #tpu.memory_space<vmem>>
        %dma_start3A_86 = arith.constant 0 : i32
        %dma_start3A_87 = arith.constant 0 : i32
        %dma_start3A_88 = tpu.memref_slice %arg10[%dma_start3A_86, %dma_start3A_87] : memref<10000x72xf32, #tpu.memory_space<vmem_shared>> -> memref<10000x72xf32, #tpu.memory_space<vmem_shared>>
        tpu.enqueue_indirect_dma source(%arg7 : memref<256x72xf32, #tpu.memory_space<vmem>>) target(%dma_start3A_88 : memref<10000x72xf32, #tpu.memory_space<vmem_shared>>) offsets(%dma_start3A_85 : memref<256xi32, #tpu.memory_space<vmem>>) semaphore(%run_scoped3A_82 : memref<!tpu.dma_semaphore, #tpu.memory_space<semaphore_mem>>) {add = true}
        %dma_wait3A_89 = arith.constant 0 : i32
        %dma_wait3A_90 = tpu.memref_slice %arg6[%run_scoped3A, %mul3A_32, %dma_wait3A_89] : memref<2x40x256xi32, #tpu.memory_space<vmem>> -> memref<1x1x256xi32, #tpu.memory_space<vmem>>
        %dma_wait3A_91 = tpu.memref_squeeze %dma_wait3A_90 : memref<1x1x256xi32, #tpu.memory_space<vmem>> -> memref<256xi32, #tpu.memory_space<vmem>>
        %dma_wait3A_92 = arith.constant 0 : i32
        %dma_wait3A_93 = arith.constant 0 : i32
        %dma_wait3A_94 = tpu.memref_slice %arg10[%dma_wait3A_92, %dma_wait3A_93] : memref<10000x72xf32, #tpu.memory_space<vmem_shared>> -> memref<10000x72xf32, #tpu.memory_space<vmem_shared>>
        tpu.wait_indirect_dma semaphore(%run_scoped3A_82 : memref<!tpu.dma_semaphore, #tpu.memory_space<semaphore_mem>>) src(%arg7 : memref<256x72xf32, #tpu.memory_space<vmem>>) dst(%dma_wait3A_94 : memref<10000x72xf32, #tpu.memory_space<vmem_shared>>)
        tpu.yield
      }) : () -> ()
      %lt3A_48 = arith.constant 12 : i32
      %lt3A_49 = arith.cmpi slt, %scan3A_30, %lt3A_48 : i32
      %convert_element_type3A_50 = arith.extui %lt3A_49 : i1 to i32
      %cond3A_51 = arith.constant 0 : i32
      %cond3A_52 = arith.cmpi ne, %convert_element_type3A_50, %cond3A_51 : i32
      scf.if %cond3A_52 {
        %add3A_82 = arith.constant 3 : i32
        %add3A_83 = arith.addi %mul3A_32, %add3A_82 : i32
        %dma_start3A_84 = arith.constant 0 : i32
        %dma_start3A_85 = arith.constant 0 : i32
        %dma_start3A_86 = tpu.memref_slice %arg6[%dma_start3A_84, %add3A_83, %dma_start3A_85] : memref<2x40x256xi32, #tpu.memory_space<vmem>> -> memref<1x1x256xi32, #tpu.memory_space<vmem>>
        %dma_start3A_87 = tpu.memref_squeeze %dma_start3A_86 : memref<1x1x256xi32, #tpu.memory_space<vmem>> -> memref<256xi32, #tpu.memory_space<vmem>>
        %dma_start3A_88 = arith.constant 0 : i32
        %dma_start3A_89 = arith.constant 0 : i32
        %dma_start3A_90 = tpu.memref_slice %arg2[%dma_start3A_88, %dma_start3A_89] : memref<10000x72xf32, #tpu.memory_space<hbm>> -> memref<10000x72xf32, #tpu.memory_space<hbm>>
        tpu.enqueue_indirect_dma source(%dma_start3A_90 : memref<10000x72xf32, #tpu.memory_space<hbm>>) target(%arg7 : memref<256x72xf32, #tpu.memory_space<vmem>>) offsets(%dma_start3A_87 : memref<256xi32, #tpu.memory_space<vmem>>) semaphore(%arg11 : memref<!tpu.dma_semaphore, #tpu.memory_space<semaphore_mem>>)
      } else {
      }
      %add3A_53 = arith.constant 1 : i32
      %add3A_54 = arith.addi %mul3A_32, %add3A_53 : i32
      %dma_wait3A_55 = arith.constant 0 : i32
      %dma_wait3A_56 = arith.constant 0 : i32
      %dma_wait3A_57 = tpu.memref_slice %arg6[%dma_wait3A_55, %add3A_54, %dma_wait3A_56] : memref<2x40x256xi32, #tpu.memory_space<vmem>> -> memref<1x1x256xi32, #tpu.memory_space<vmem>>
      %dma_wait3A_58 = tpu.memref_squeeze %dma_wait3A_57 : memref<1x1x256xi32, #tpu.memory_space<vmem>> -> memref<256xi32, #tpu.memory_space<vmem>>
      %dma_wait3A_59 = arith.constant 0 : i32
      %dma_wait3A_60 = arith.constant 0 : i32
      %dma_wait3A_61 = tpu.memref_slice %arg2[%dma_wait3A_59, %dma_wait3A_60] : memref<10000x72xf32, #tpu.memory_space<hbm>> -> memref<10000x72xf32, #tpu.memory_space<hbm>>
      tpu.wait_indirect_dma semaphore(%arg12 : memref<!tpu.dma_semaphore, #tpu.memory_space<semaphore_mem>>) src(%dma_wait3A_61 : memref<10000x72xf32, #tpu.memory_space<hbm>>) dst(%arg8 : memref<256x72xf32, #tpu.memory_space<vmem>>)
      %add3A_62 = arith.constant 1 : i32
      %add3A_63 = arith.addi %mul3A_32, %add3A_62 : i32
      %run_scoped3A_64 = arith.constant 1 : i32
      "tpu.region"() ({
        %run_scoped3A_82 = tpu.sem_alloc : memref<!tpu.dma_semaphore, #tpu.memory_space<semaphore_mem>>
        %dma_start3A_83 = arith.constant 0 : i32
        %dma_start3A_84 = tpu.memref_slice %arg6[%run_scoped3A_64, %add3A_63, %dma_start3A_83] : memref<2x40x256xi32, #tpu.memory_space<vmem>> -> memref<1x1x256xi32, #tpu.memory_space<vmem>>
        %dma_start3A_85 = tpu.memref_squeeze %dma_start3A_84 : memref<1x1x256xi32, #tpu.memory_space<vmem>> -> memref<256xi32, #tpu.memory_space<vmem>>
        %dma_start3A_86 = arith.constant 0 : i32
        %dma_start3A_87 = arith.constant 0 : i32
        %dma_start3A_88 = tpu.memref_slice %arg10[%dma_start3A_86, %dma_start3A_87] : memref<10000x72xf32, #tpu.memory_space<vmem_shared>> -> memref<10000x72xf32, #tpu.memory_space<vmem_shared>>
        tpu.enqueue_indirect_dma source(%arg8 : memref<256x72xf32, #tpu.memory_space<vmem>>) target(%dma_start3A_88 : memref<10000x72xf32, #tpu.memory_space<vmem_shared>>) offsets(%dma_start3A_85 : memref<256xi32, #tpu.memory_space<vmem>>) semaphore(%run_scoped3A_82 : memref<!tpu.dma_semaphore, #tpu.memory_space<semaphore_mem>>) {add = true}
        %dma_wait3A_89 = arith.constant 0 : i32
        %dma_wait3A_90 = tpu.memref_slice %arg6[%run_scoped3A_64, %add3A_63, %dma_wait3A_89] : memref<2x40x256xi32, #tpu.memory_space<vmem>> -> memref<1x1x256xi32, #tpu.memory_space<vmem>>
        %dma_wait3A_91 = tpu.memref_squeeze %dma_wait3A_90 : memref<1x1x256xi32, #tpu.memory_space<vmem>> -> memref<256xi32, #tpu.memory_space<vmem>>
        %dma_wait3A_92 = arith.constant 0 : i32
        %dma_wait3A_93 = arith.constant 0 : i32
        %dma_wait3A_94 = tpu.memref_slice %arg10[%dma_wait3A_92, %dma_wait3A_93] : memref<10000x72xf32, #tpu.memory_space<vmem_shared>> -> memref<10000x72xf32, #tpu.memory_space<vmem_shared>>
        tpu.wait_indirect_dma semaphore(%run_scoped3A_82 : memref<!tpu.dma_semaphore, #tpu.memory_space<semaphore_mem>>) src(%arg8 : memref<256x72xf32, #tpu.memory_space<vmem>>) dst(%dma_wait3A_94 : memref<10000x72xf32, #tpu.memory_space<vmem_shared>>)
        tpu.yield
      }) : () -> ()
      %lt3A_65 = arith.constant 12 : i32
      %lt3A_66 = arith.cmpi slt, %scan3A_30, %lt3A_65 : i32
      %convert_element_type3A_67 = arith.extui %lt3A_66 : i1 to i32
      %cond3A_68 = arith.constant 0 : i32
      %cond3A_69 = arith.cmpi ne, %convert_element_type3A_67, %cond3A_68 : i32
      scf.if %cond3A_69 {
        %add3A_82 = arith.constant 4 : i32
        %add3A_83 = arith.addi %mul3A_32, %add3A_82 : i32
        %dma_start3A_84 = arith.constant 0 : i32
        %dma_start3A_85 = arith.constant 0 : i32
        %dma_start3A_86 = tpu.memref_slice %arg6[%dma_start3A_84, %add3A_83, %dma_start3A_85] : memref<2x40x256xi32, #tpu.memory_space<vmem>> -> memref<1x1x256xi32, #tpu.memory_space<vmem>>
        %dma_start3A_87 = tpu.memref_squeeze %dma_start3A_86 : memref<1x1x256xi32, #tpu.memory_space<vmem>> -> memref<256xi32, #tpu.memory_space<vmem>>
        %dma_start3A_88 = arith.constant 0 : i32
        %dma_start3A_89 = arith.constant 0 : i32
        %dma_start3A_90 = tpu.memref_slice %arg2[%dma_start3A_88, %dma_start3A_89] : memref<10000x72xf32, #tpu.memory_space<hbm>> -> memref<10000x72xf32, #tpu.memory_space<hbm>>
        tpu.enqueue_indirect_dma source(%dma_start3A_90 : memref<10000x72xf32, #tpu.memory_space<hbm>>) target(%arg8 : memref<256x72xf32, #tpu.memory_space<vmem>>) offsets(%dma_start3A_87 : memref<256xi32, #tpu.memory_space<vmem>>) semaphore(%arg12 : memref<!tpu.dma_semaphore, #tpu.memory_space<semaphore_mem>>)
      } else {
      }
      %add3A_70 = arith.constant 2 : i32
      %add3A_71 = arith.addi %mul3A_32, %add3A_70 : i32
      %dma_wait3A_72 = arith.constant 0 : i32
      %dma_wait3A_73 = arith.constant 0 : i32
      %dma_wait3A_74 = tpu.memref_slice %arg6[%dma_wait3A_72, %add3A_71, %dma_wait3A_73] : memref<2x40x256xi32, #tpu.memory_space<vmem>> -> memref<1x1x256xi32, #tpu.memory_space<vmem>>
      %dma_wait3A_75 = tpu.memref_squeeze %dma_wait3A_74 : memref<1x1x256xi32, #tpu.memory_space<vmem>> -> memref<256xi32, #tpu.memory_space<vmem>>
      %dma_wait3A_76 = arith.constant 0 : i32
      %dma_wait3A_77 = arith.constant 0 : i32
      %dma_wait3A_78 = tpu.memref_slice %arg2[%dma_wait3A_76, %dma_wait3A_77] : memref<10000x72xf32, #tpu.memory_space<hbm>> -> memref<10000x72xf32, #tpu.memory_space<hbm>>
      tpu.wait_indirect_dma semaphore(%arg13 : memref<!tpu.dma_semaphore, #tpu.memory_space<semaphore_mem>>) src(%dma_wait3A_78 : memref<10000x72xf32, #tpu.memory_space<hbm>>) dst(%arg9 : memref<256x72xf32, #tpu.memory_space<vmem>>)
      %add3A_79 = arith.constant 2 : i32
      %add3A_80 = arith.addi %mul3A_32, %add3A_79 : i32
      %run_scoped3A_81 = arith.constant 1 : i32
      "tpu.region"() ({
        %run_scoped3A_82 = tpu.sem_alloc : memref<!tpu.dma_semaphore, #tpu.memory_space<semaphore_mem>>
        %dma_start3A_83 = arith.constant 0 : i32
        %dma_start3A_84 = tpu.memref_slice %arg6[%run_scoped3A_81, %add3A_80, %dma_start3A_83] : memref<2x40x256xi32, #tpu.memory_space<vmem>> -> memref<1x1x256xi32, #tpu.memory_space<vmem>>
        %dma_start3A_85 = tpu.memref_squeeze %dma_start3A_84 : memref<1x1x256xi32, #tpu.memory_space<vmem>> -> memref<256xi32, #tpu.memory_space<vmem>>
        %dma_start3A_86 = arith.constant 0 : i32
        %dma_start3A_87 = arith.constant 0 : i32
        %dma_start3A_88 = tpu.memref_slice %arg10[%dma_start3A_86, %dma_start3A_87] : memref<10000x72xf32, #tpu.memory_space<vmem_shared>> -> memref<10000x72xf32, #tpu.memory_space<vmem_shared>>
        tpu.enqueue_indirect_dma source(%arg9 : memref<256x72xf32, #tpu.memory_space<vmem>>) target(%dma_start3A_88 : memref<10000x72xf32, #tpu.memory_space<vmem_shared>>) offsets(%dma_start3A_85 : memref<256xi32, #tpu.memory_space<vmem>>) semaphore(%run_scoped3A_82 : memref<!tpu.dma_semaphore, #tpu.memory_space<semaphore_mem>>) {add = true}
        %dma_wait3A_89 = arith.constant 0 : i32
        %dma_wait3A_90 = tpu.memref_slice %arg6[%run_scoped3A_81, %add3A_80, %dma_wait3A_89] : memref<2x40x256xi32, #tpu.memory_space<vmem>> -> memref<1x1x256xi32, #tpu.memory_space<vmem>>
        %dma_wait3A_91 = tpu.memref_squeeze %dma_wait3A_90 : memref<1x1x256xi32, #tpu.memory_space<vmem>> -> memref<256xi32, #tpu.memory_space<vmem>>
        %dma_wait3A_92 = arith.constant 0 : i32
        %dma_wait3A_93 = arith.constant 0 : i32
        %dma_wait3A_94 = tpu.memref_slice %arg10[%dma_wait3A_92, %dma_wait3A_93] : memref<10000x72xf32, #tpu.memory_space<vmem_shared>> -> memref<10000x72xf32, #tpu.memory_space<vmem_shared>>
        tpu.wait_indirect_dma semaphore(%run_scoped3A_82 : memref<!tpu.dma_semaphore, #tpu.memory_space<semaphore_mem>>) src(%arg9 : memref<256x72xf32, #tpu.memory_space<vmem>>) dst(%dma_wait3A_94 : memref<10000x72xf32, #tpu.memory_space<vmem_shared>>)
        tpu.yield
      }) : () -> ()
    }
    %scan3A_25 = arith.constant 13 : i32
    %convert_element_type3A_26 = arith.extui %lt3A_1 : i1 to i32
    %cond3A_27 = arith.constant 0 : i32
    %cond3A_28 = arith.cmpi ne, %convert_element_type3A_26, %cond3A_27 : i32
    scf.if %cond3A_28 {
      %dma_start3A_30 = arith.constant 0 : i32
      %dma_start3A_31 = arith.constant 39 : i32
      %dma_start3A_32 = arith.constant 0 : i32
      %dma_start3A_33 = tpu.memref_slice %arg6[%dma_start3A_30, %dma_start3A_31, %dma_start3A_32] : memref<2x40x256xi32, #tpu.memory_space<vmem>> -> memref<1x1x256xi32, #tpu.memory_space<vmem>>
      %dma_start3A_34 = tpu.memref_squeeze %dma_start3A_33 : memref<1x1x256xi32, #tpu.memory_space<vmem>> -> memref<256xi32, #tpu.memory_space<vmem>>
      %dma_start3A_35 = arith.constant 0 : i32
      %dma_start3A_36 = arith.constant 0 : i32
      %dma_start3A_37 = tpu.memref_slice %arg2[%dma_start3A_35, %dma_start3A_36] : memref<10000x72xf32, #tpu.memory_space<hbm>> -> memref<10000x72xf32, #tpu.memory_space<hbm>>
      tpu.enqueue_indirect_dma source(%dma_start3A_37 : memref<10000x72xf32, #tpu.memory_space<hbm>>) target(%arg7 : memref<256x72xf32, #tpu.memory_space<vmem>>) offsets(%dma_start3A_34 : memref<256xi32, #tpu.memory_space<vmem>>) semaphore(%arg11 : memref<!tpu.dma_semaphore, #tpu.memory_space<semaphore_mem>>)
      %dma_wait3A = arith.constant 0 : i32
      %dma_wait3A_38 = arith.constant 39 : i32
      %dma_wait3A_39 = arith.constant 0 : i32
      %dma_wait3A_40 = tpu.memref_slice %arg6[%dma_wait3A, %dma_wait3A_38, %dma_wait3A_39] : memref<2x40x256xi32, #tpu.memory_space<vmem>> -> memref<1x1x256xi32, #tpu.memory_space<vmem>>
      %dma_wait3A_41 = tpu.memref_squeeze %dma_wait3A_40 : memref<1x1x256xi32, #tpu.memory_space<vmem>> -> memref<256xi32, #tpu.memory_space<vmem>>
      %dma_wait3A_42 = arith.constant 0 : i32
      %dma_wait3A_43 = arith.constant 0 : i32
      %dma_wait3A_44 = tpu.memref_slice %arg2[%dma_wait3A_42, %dma_wait3A_43] : memref<10000x72xf32, #tpu.memory_space<hbm>> -> memref<10000x72xf32, #tpu.memory_space<hbm>>
      tpu.wait_indirect_dma semaphore(%arg11 : memref<!tpu.dma_semaphore, #tpu.memory_space<semaphore_mem>>) src(%dma_wait3A_44 : memref<10000x72xf32, #tpu.memory_space<hbm>>) dst(%arg7 : memref<256x72xf32, #tpu.memory_space<vmem>>)
      %run_scoped3A = arith.constant 1 : i32
      %run_scoped3A_45 = arith.constant 39 : i32
      "tpu.region"() ({
        %run_scoped3A_46 = tpu.sem_alloc : memref<!tpu.dma_semaphore, #tpu.memory_space<semaphore_mem>>
        %dma_start3A_47 = arith.constant 0 : i32
        %dma_start3A_48 = tpu.memref_slice %arg6[%run_scoped3A, %run_scoped3A_45, %dma_start3A_47] : memref<2x40x256xi32, #tpu.memory_space<vmem>> -> memref<1x1x256xi32, #tpu.memory_space<vmem>>
        %dma_start3A_49 = tpu.memref_squeeze %dma_start3A_48 : memref<1x1x256xi32, #tpu.memory_space<vmem>> -> memref<256xi32, #tpu.memory_space<vmem>>
        %dma_start3A_50 = arith.constant 0 : i32
        %dma_start3A_51 = arith.constant 0 : i32
        %dma_start3A_52 = tpu.memref_slice %arg10[%dma_start3A_50, %dma_start3A_51] : memref<10000x72xf32, #tpu.memory_space<vmem_shared>> -> memref<10000x72xf32, #tpu.memory_space<vmem_shared>>
        tpu.enqueue_indirect_dma source(%arg7 : memref<256x72xf32, #tpu.memory_space<vmem>>) target(%dma_start3A_52 : memref<10000x72xf32, #tpu.memory_space<vmem_shared>>) offsets(%dma_start3A_49 : memref<256xi32, #tpu.memory_space<vmem>>) semaphore(%run_scoped3A_46 : memref<!tpu.dma_semaphore, #tpu.memory_space<semaphore_mem>>) {add = true}
        %dma_wait3A_53 = arith.constant 0 : i32
        %dma_wait3A_54 = tpu.memref_slice %arg6[%run_scoped3A, %run_scoped3A_45, %dma_wait3A_53] : memref<2x40x256xi32, #tpu.memory_space<vmem>> -> memref<1x1x256xi32, #tpu.memory_space<vmem>>
        %dma_wait3A_55 = tpu.memref_squeeze %dma_wait3A_54 : memref<1x1x256xi32, #tpu.memory_space<vmem>> -> memref<256xi32, #tpu.memory_space<vmem>>
        %dma_wait3A_56 = arith.constant 0 : i32
        %dma_wait3A_57 = arith.constant 0 : i32
        %dma_wait3A_58 = tpu.memref_slice %arg10[%dma_wait3A_56, %dma_wait3A_57] : memref<10000x72xf32, #tpu.memory_space<vmem_shared>> -> memref<10000x72xf32, #tpu.memory_space<vmem_shared>>
        tpu.wait_indirect_dma semaphore(%run_scoped3A_46 : memref<!tpu.dma_semaphore, #tpu.memory_space<semaphore_mem>>) src(%arg7 : memref<256x72xf32, #tpu.memory_space<vmem>>) dst(%dma_wait3A_58 : memref<10000x72xf32, #tpu.memory_space<vmem_shared>>)
        tpu.yield
      }) : () -> ()
    } else {
    }
    %barrier3A_29 = arith.constant 0 : index
    tpu.barrier barrier_id(%barrier3A_29)
    "tpu.region"() ({
      %run_scoped3A = tpu.sem_alloc : memref<!tpu.dma_semaphore, #tpu.memory_space<semaphore_mem>>
      %dma_start3A_30 = arith.constant 0 : i32
      %dma_start3A_31 = tpu.memref_slice %arg5[%arg0, %mul3A_21, %dma_start3A_30] : memref<2x10000x128xf32, #tpu.memory_space<hbm>> -> memref<1x625x72xf32, #tpu.memory_space<hbm>>
      %dma_start3A_32 = tpu.memref_squeeze %dma_start3A_31 : memref<1x625x72xf32, #tpu.memory_space<hbm>> -> memref<625x72xf32, #tpu.memory_space<hbm>>
      %dma_start3A_33 = arith.constant 0 : i32
      %dma_start3A_34 = tpu.memref_slice %arg10[%mul3A_21, %dma_start3A_33] : memref<10000x72xf32, #tpu.memory_space<vmem_shared>> -> memref<625x72xf32, #tpu.memory_space<vmem_shared>>
      tpu.enqueue_dma source(%dma_start3A_34 : memref<625x72xf32, #tpu.memory_space<vmem_shared>>) target(%dma_start3A_32 : memref<625x72xf32, #tpu.memory_space<hbm>>) target_semaphore(%run_scoped3A : memref<!tpu.dma_semaphore, #tpu.memory_space<semaphore_mem>>)
      %dma_wait3A = arith.constant 0 : i32
      %dma_wait3A_35 = tpu.memref_slice %arg5[%arg0, %mul3A_21, %dma_wait3A] : memref<2x10000x128xf32, #tpu.memory_space<hbm>> -> memref<1x625x72xf32, #tpu.memory_space<hbm>>
      %dma_wait3A_36 = tpu.memref_squeeze %dma_wait3A_35 : memref<1x625x72xf32, #tpu.memory_space<hbm>> -> memref<625x72xf32, #tpu.memory_space<hbm>>
      %dma_wait3A_37 = arith.constant 0 : i32
      %dma_wait3A_38 = tpu.memref_slice %arg10[%mul3A_21, %dma_wait3A_37] : memref<10000x72xf32, #tpu.memory_space<vmem_shared>> -> memref<625x72xf32, #tpu.memory_space<vmem_shared>>
      tpu.wait_dma2 semaphore(%run_scoped3A : memref<!tpu.dma_semaphore, #tpu.memory_space<semaphore_mem>>) src(%dma_wait3A_38 : memref<625x72xf32, #tpu.memory_space<vmem_shared>>) dst(%dma_wait3A_36 : memref<625x72xf32, #tpu.memory_space<hbm>>)
      tpu.yield
    }) : () -> ()
    return
  }
}

module attributes {stable_mosaic.version = 14 : i64} {
  func.func @_p1_body(%arg0: i32, %arg1: memref<1000x128xf32, #tpu.memory_space<vmem>>, %arg2: memref<128x64xf32, #tpu.memory_space<vmem>>, %arg3: memref<1000x72xf32, #tpu.memory_space<vmem>>) attributes {dimension_semantics = [#tpu.dimension_semantics<arbitrary>], iteration_bounds = array<i64: 10>, scalar_prefetch = 0 : i64, scratch_operands = 0 : i64, tpu.core_type = #tpu.core_type<tc>, window_params = [{transform_indices = @transform_0, window_bounds = array<i64: 1000, 128>}, {pipeline_mode = #tpu.pipeline_mode<synchronous>, transform_indices = @transform_1, window_bounds = array<i64: 128, 64>}, {transform_indices = @transform_2, window_bounds = array<i64: 1000, 72>}]} {
    %get3A = arith.constant 0 : index
    %get3A_0 = arith.constant 0 : index
    %get3A_1 = vector.load %arg1[%get3A, %get3A_0] : memref<1000x128xf32, #tpu.memory_space<vmem>>, vector<1000x128xf32>
    %get3A_2 = arith.constant 0 : index
    %get3A_3 = arith.constant 0 : index
    %get3A_4 = vector.load %arg2[%get3A_2, %get3A_3] : memref<128x64xf32, #tpu.memory_space<vmem>>, vector<128x64xf32>
    %dot_general3A = arith.constant dense<0.000000e+00> : vector<1000x64xf32>
    %dot_general3A_5 = tpu.matmul %get3A_1, %get3A_4, %dot_general3A {dimension_numbers = #tpu.dot_dimension_numbers<[1], [0], [0], [1], [0, 0, 1, 1], [], []>, transpose_lhs_hint = false} : vector<1000x128xf32>, vector<128x64xf32>, vector<1000x64xf32> -> vector<1000x64xf32>
    %broadcast_in_dim3A = arith.constant 1.000000e+00 : f32
    %broadcast_in_dim3A_6 = vector.broadcast %broadcast_in_dim3A : f32 to vector<1000x1xf32>
    %broadcast_in_dim3A_7 = arith.constant 0.000000e+00 : f32
    %broadcast_in_dim3A_8 = vector.broadcast %broadcast_in_dim3A_7 : f32 to vector<1000x7xf32>
    %concatenate3A = tpu.concatenate %dot_general3A_5, %broadcast_in_dim3A_6, %broadcast_in_dim3A_8 in 1 : vector<1000x64xf32>, vector<1000x1xf32>, vector<1000x7xf32> -> vector<1000x72xf32>
    %swap3A = arith.constant 0 : index
    %swap3A_9 = arith.constant 0 : index
    %swap3A_10 = vector.load %arg3[%swap3A, %swap3A_9] : memref<1000x72xf32, #tpu.memory_space<vmem>>, vector<1000x72xf32>
    tpu.vector_store %arg3[%swap3A, %swap3A_9], %concatenate3A {strides = array<i32>} : memref<1000x72xf32, #tpu.memory_space<vmem>>, vector<1000x72xf32>,
    return
  }
  func.func @transform_0(%arg0: i32) -> (i32, i32) {
    %c0_i32 = arith.constant 0 : i32
    %c0_i32_0 = arith.constant 0 : i32
    return %arg0, %c0_i32 : i32, i32
  }
  func.func @transform_1(%arg0: i32) -> (i32, i32) {
    %c0_i32 = arith.constant 0 : i32
    %c0_i32_0 = arith.constant 0 : i32
    %c0_i32_1 = arith.constant 0 : i32
    return %c0_i32, %c0_i32_0 : i32, i32
  }
  func.func @transform_2(%arg0: i32) -> (i32, i32) {
    %c0_i32 = arith.constant 0 : i32
    %c0_i32_0 = arith.constant 0 : i32
    return %arg0, %c0_i32 : i32, i32
  }
}

module attributes {stable_mosaic.version = 14 : i64} {
  func.func @_root_body(%arg0: i32, %arg1: memref<1000x128xf32, #tpu.memory_space<vmem>>, %arg2: memref<128x64xf32, #tpu.memory_space<vmem>>, %arg3: memref<1x64xf32, #tpu.memory_space<vmem>>, %arg4: memref<1000x64xf32, #tpu.memory_space<vmem>>) attributes {dimension_semantics = [#tpu.dimension_semantics<arbitrary>], iteration_bounds = array<i64: 10>, scalar_prefetch = 0 : i64, scratch_operands = 0 : i64, tpu.core_type = #tpu.core_type<tc>, window_params = [{transform_indices = @transform_0, window_bounds = array<i64: 1000, 128>}, {pipeline_mode = #tpu.pipeline_mode<synchronous>, transform_indices = @transform_1, window_bounds = array<i64: 128, 64>}, {pipeline_mode = #tpu.pipeline_mode<synchronous>, transform_indices = @transform_2, window_bounds = array<i64: 1, 64>}, {transform_indices = @transform_3, window_bounds = array<i64: 1000, 64>}]} {
    %get3A = arith.constant 0 : index
    %get3A_0 = arith.constant 0 : index
    %get3A_1 = vector.load %arg1[%get3A, %get3A_0] : memref<1000x128xf32, #tpu.memory_space<vmem>>, vector<1000x128xf32>
    %get3A_2 = arith.constant 0 : index
    %get3A_3 = arith.constant 0 : index
    %get3A_4 = vector.load %arg2[%get3A_2, %get3A_3] : memref<128x64xf32, #tpu.memory_space<vmem>>, vector<128x64xf32>
    %dot_general3A = arith.constant dense<0.000000e+00> : vector<1000x64xf32>
    %dot_general3A_5 = tpu.matmul %get3A_1, %get3A_4, %dot_general3A {dimension_numbers = #tpu.dot_dimension_numbers<[1], [0], [0], [1], [0, 0, 1, 1], [], []>, transpose_lhs_hint = false} : vector<1000x128xf32>, vector<128x64xf32>, vector<1000x64xf32> -> vector<1000x64xf32>
    %get3A_6 = arith.constant 0 : index
    %get3A_7 = arith.constant 0 : index
    %get3A_8 = vector.load %arg3[%get3A_6, %get3A_7] : memref<1x64xf32, #tpu.memory_space<vmem>>, vector<1x64xf32>
    %add3A = vector.broadcast %get3A_8 : vector<1x64xf32> to vector<1000x64xf32>
    %add3A_9 = arith.addf %dot_general3A_5, %add3A : vector<1000x64xf32>
    %swap3A = arith.constant 0 : index
    %swap3A_10 = arith.constant 0 : index
    %swap3A_11 = vector.load %arg4[%swap3A, %swap3A_10] : memref<1000x64xf32, #tpu.memory_space<vmem>>, vector<1000x64xf32>
    tpu.vector_store %arg4[%swap3A, %swap3A_10], %add3A_9 {strides = array<i32>} : memref<1000x64xf32, #tpu.memory_space<vmem>>, vector<1000x64xf32>,
    return
  }
  func.func @transform_0(%arg0: i32) -> (i32, i32) {
    %c0_i32 = arith.constant 0 : i32
    %c0_i32_0 = arith.constant 0 : i32
    return %arg0, %c0_i32 : i32, i32
  }
  func.func @transform_1(%arg0: i32) -> (i32, i32) {
    %c0_i32 = arith.constant 0 : i32
    %c0_i32_0 = arith.constant 0 : i32
    %c0_i32_1 = arith.constant 0 : i32
    return %c0_i32, %c0_i32_0 : i32, i32
  }
  func.func @transform_2(%arg0: i32) -> (i32, i32) {
    %c0_i32 = arith.constant 0 : i32
    %c0_i32_0 = arith.constant 0 : i32
    %c0_i32_1 = arith.constant 0 : i32
    return %c0_i32, %c0_i32_0 : i32, i32
  }
  func.func @transform_3(%arg0: i32) -> (i32, i32) {
    %c0_i32 = arith.constant 0 : i32
    %c0_i32_0 = arith.constant 0 : i32
    return %arg0, %c0_i32 : i32, i32
  }
}

module attributes {stable_mosaic.version = 14 : i64} {
  func.func @_combine_body(%arg0: i32, %arg1: memref<2x1000x128xf32, #tpu.memory_space<vmem>>, %arg2: memref<1000x64xf32, #tpu.memory_space<vmem>>, %arg3: memref<64x32xf32, #tpu.memory_space<vmem>>, %arg4: memref<1000x32xf32, #tpu.memory_space<vmem>>, %arg5: memref<1000x64xf32, #tpu.memory_space<vmem>>, %arg6: memref<1000x32xf32, #tpu.memory_space<vmem>>) attributes {dimension_semantics = [#tpu.dimension_semantics<arbitrary>], iteration_bounds = array<i64: 10>, scalar_prefetch = 0 : i64, scratch_operands = 0 : i64, tpu.core_type = #tpu.core_type<tc>, window_params = [{transform_indices = @transform_0, window_bounds = array<i64: 2, 1000, 128>}, {transform_indices = @transform_1, window_bounds = array<i64: 1000, 64>}, {pipeline_mode = #tpu.pipeline_mode<synchronous>, transform_indices = @transform_2, window_bounds = array<i64: 64, 32>}, {transform_indices = @transform_3, window_bounds = array<i64: 1000, 32>}, {transform_indices = @transform_4, window_bounds = array<i64: 1000, 64>}, {transform_indices = @transform_5, window_bounds = array<i64: 1000, 32>}]} {
    %get3A = arith.constant 0 : index
    %get3A_0 = arith.constant 0 : index
    %get3A_1 = arith.constant 0 : index
    %get3A_2 = vector.load %arg1[%get3A, %get3A_0, %get3A_1] : memref<2x1000x128xf32, #tpu.memory_space<vmem>>, vector<1x1000x64xf32>
    %get3A_3 = vector.shape_cast %get3A_2 : vector<1x1000x64xf32> to vector<1000x64xf32>
    %get3A_4 = arith.constant 1 : index
    %get3A_5 = arith.constant 0 : index
    %get3A_6 = arith.constant 0 : index
    %get3A_7 = vector.load %arg1[%get3A_4, %get3A_5, %get3A_6] : memref<2x1000x128xf32, #tpu.memory_space<vmem>>, vector<1x1000x64xf32>
    %get3A_8 = vector.shape_cast %get3A_7 : vector<1x1000x64xf32> to vector<1000x64xf32>
    %add3A = arith.addf %get3A_3, %get3A_8 : vector<1000x64xf32>
    %get3A_9 = arith.constant 0 : index
    %get3A_10 = arith.constant 0 : index
    %get3A_11 = arith.constant 64 : index
    %get3A_12 = vector.load %arg1[%get3A_9, %get3A_10, %get3A_11] : memref<2x1000x128xf32, #tpu.memory_space<vmem>>, vector<1x1000x1xf32>
    %get3A_13 = vector.shape_cast %get3A_12 : vector<1x1000x1xf32> to vector<1000x1xf32>
    %get3A_14 = arith.constant 1 : index
    %get3A_15 = arith.constant 0 : index
    %get3A_16 = arith.constant 64 : index
    %get3A_17 = vector.load %arg1[%get3A_14, %get3A_15, %get3A_16] : memref<2x1000x128xf32, #tpu.memory_space<vmem>>, vector<1x1000x1xf32>
    %get3A_18 = vector.shape_cast %get3A_17 : vector<1x1000x1xf32> to vector<1000x1xf32>
    %add3A_19 = arith.addf %get3A_13, %get3A_18 : vector<1000x1xf32>
    %max3A = arith.constant 1.000000e+00 : f32
    %max3A_20 = vector.broadcast %max3A : f32 to vector<1000x1xf32>
    %max3A_21 = arith.maximumf %add3A_19, %max3A_20 : vector<1000x1xf32>
    %div3A = arith.constant 1.000000e+00 : f32
    %div3A_22 = vector.broadcast %div3A : f32 to vector<1000x1xf32>
    %div3A_23 = arith.divf %div3A_22, %max3A_21 : vector<1000x1xf32>
    %mul3A = vector.broadcast %div3A_23 : vector<1000x1xf32> to vector<1000x64xf32>
    %mul3A_24 = arith.mulf %add3A, %mul3A : vector<1000x64xf32>
    %get3A_25 = arith.constant 0 : index
    %get3A_26 = arith.constant 0 : index
    %get3A_27 = vector.load %arg2[%get3A_25, %get3A_26] : memref<1000x64xf32, #tpu.memory_space<vmem>>, vector<1000x64xf32>
    %add3A_28 = arith.addf %mul3A_24, %get3A_27 : vector<1000x64xf32>
    %max3A_29 = arith.constant 0.000000e+00 : f32
    %max3A_30 = vector.broadcast %max3A_29 : f32 to vector<1000x64xf32>
    %max3A_31 = arith.maximumf %add3A_28, %max3A_30 : vector<1000x64xf32>
    %swap3A = arith.constant 0 : index
    %swap3A_32 = arith.constant 0 : index
    %swap3A_33 = vector.load %arg5[%swap3A, %swap3A_32] : memref<1000x64xf32, #tpu.memory_space<vmem>>, vector<1000x64xf32>
    tpu.vector_store %arg5[%swap3A, %swap3A_32], %max3A_31 {strides = array<i32>} : memref<1000x64xf32, #tpu.memory_space<vmem>>, vector<1000x64xf32>,
    %broadcast_in_dim3A = vector.shape_cast %div3A_23 : vector<1000x1xf32> to vector<1000x1xf32>
    %broadcast_in_dim3A_34 = vector.broadcast %broadcast_in_dim3A : vector<1000x1xf32> to vector<1000x32xf32>
    %swap3A_35 = arith.constant 0 : index
    %swap3A_36 = arith.constant 0 : index
    %swap3A_37 = vector.load %arg6[%swap3A_35, %swap3A_36] : memref<1000x32xf32, #tpu.memory_space<vmem>>, vector<1000x32xf32>
    tpu.vector_store %arg6[%swap3A_35, %swap3A_36], %broadcast_in_dim3A_34 {strides = array<i32>} : memref<1000x32xf32, #tpu.memory_space<vmem>>, vector<1000x32xf32>,
    %get3A_38 = arith.constant 0 : index
    %get3A_39 = arith.constant 0 : index
    %get3A_40 = vector.load %arg3[%get3A_38, %get3A_39] : memref<64x32xf32, #tpu.memory_space<vmem>>, vector<64x32xf32>
    %dot_general3A = arith.constant dense<0.000000e+00> : vector<1000x32xf32>
    %dot_general3A_41 = tpu.matmul %max3A_31, %get3A_40, %dot_general3A {dimension_numbers = #tpu.dot_dimension_numbers<[1], [0], [0], [1], [0, 0, 1, 1], [], []>, transpose_lhs_hint = false} : vector<1000x64xf32>, vector<64x32xf32>, vector<1000x32xf32> -> vector<1000x32xf32>
    %swap3A_42 = arith.constant 0 : index
    %swap3A_43 = arith.constant 0 : index
    %swap3A_44 = vector.load %arg4[%swap3A_42, %swap3A_43] : memref<1000x32xf32, #tpu.memory_space<vmem>>, vector<1000x32xf32>
    tpu.vector_store %arg4[%swap3A_42, %swap3A_43], %dot_general3A_41 {strides = array<i32>} : memref<1000x32xf32, #tpu.memory_space<vmem>>, vector<1000x32xf32>,
    return
  }
  func.func @transform_0(%arg0: i32) -> (i32, i32, i32) {
    %c0_i32 = arith.constant 0 : i32
    %c0_i32_0 = arith.constant 0 : i32
    %c0_i32_1 = arith.constant 0 : i32
    return %c0_i32, %arg0, %c0_i32_0 : i32, i32, i32
  }
  func.func @transform_1(%arg0: i32) -> (i32, i32) {
    %c0_i32 = arith.constant 0 : i32
    %c0_i32_0 = arith.constant 0 : i32
    return %arg0, %c0_i32 : i32, i32
  }
  func.func @transform_2(%arg0: i32) -> (i32, i32) {
    %c0_i32 = arith.constant 0 : i32
    %c0_i32_0 = arith.constant 0 : i32
    %c0_i32_1 = arith.constant 0 : i32
    return %c0_i32, %c0_i32_0 : i32, i32
  }
  func.func @transform_3(%arg0: i32) -> (i32, i32) {
    %c0_i32 = arith.constant 0 : i32
    %c0_i32_0 = arith.constant 0 : i32
    return %arg0, %c0_i32 : i32, i32
  }
  func.func @transform_4(%arg0: i32) -> (i32, i32) {
    %c0_i32 = arith.constant 0 : i32
    %c0_i32_0 = arith.constant 0 : i32
    return %arg0, %c0_i32 : i32, i32
  }
  func.func @transform_5(%arg0: i32) -> (i32, i32) {
    %c0_i32 = arith.constant 0 : i32
    %c0_i32_0 = arith.constant 0 : i32
    return %arg0, %c0_i32 : i32, i32
  }
}

module attributes {stable_mosaic.version = 14 : i64} {
  func.func @_root_body(%arg0: i32, %arg1: memref<1000x64xf32, #tpu.memory_space<vmem>>, %arg2: memref<64x32xf32, #tpu.memory_space<vmem>>, %arg3: memref<1x32xf32, #tpu.memory_space<vmem>>, %arg4: memref<1000x32xf32, #tpu.memory_space<vmem>>) attributes {dimension_semantics = [#tpu.dimension_semantics<arbitrary>], iteration_bounds = array<i64: 10>, scalar_prefetch = 0 : i64, scratch_operands = 0 : i64, tpu.core_type = #tpu.core_type<tc>, window_params = [{transform_indices = @transform_0, window_bounds = array<i64: 1000, 64>}, {pipeline_mode = #tpu.pipeline_mode<synchronous>, transform_indices = @transform_1, window_bounds = array<i64: 64, 32>}, {pipeline_mode = #tpu.pipeline_mode<synchronous>, transform_indices = @transform_2, window_bounds = array<i64: 1, 32>}, {transform_indices = @transform_3, window_bounds = array<i64: 1000, 32>}]} {
    %get3A = arith.constant 0 : index
    %get3A_0 = arith.constant 0 : index
    %get3A_1 = vector.load %arg1[%get3A, %get3A_0] : memref<1000x64xf32, #tpu.memory_space<vmem>>, vector<1000x64xf32>
    %get3A_2 = arith.constant 0 : index
    %get3A_3 = arith.constant 0 : index
    %get3A_4 = vector.load %arg2[%get3A_2, %get3A_3] : memref<64x32xf32, #tpu.memory_space<vmem>>, vector<64x32xf32>
    %dot_general3A = arith.constant dense<0.000000e+00> : vector<1000x32xf32>
    %dot_general3A_5 = tpu.matmul %get3A_1, %get3A_4, %dot_general3A {dimension_numbers = #tpu.dot_dimension_numbers<[1], [0], [0], [1], [0, 0, 1, 1], [], []>, transpose_lhs_hint = false} : vector<1000x64xf32>, vector<64x32xf32>, vector<1000x32xf32> -> vector<1000x32xf32>
    %get3A_6 = arith.constant 0 : index
    %get3A_7 = arith.constant 0 : index
    %get3A_8 = vector.load %arg3[%get3A_6, %get3A_7] : memref<1x32xf32, #tpu.memory_space<vmem>>, vector<1x32xf32>
    %add3A = vector.broadcast %get3A_8 : vector<1x32xf32> to vector<1000x32xf32>
    %add3A_9 = arith.addf %dot_general3A_5, %add3A : vector<1000x32xf32>
    %swap3A = arith.constant 0 : index
    %swap3A_10 = arith.constant 0 : index
    %swap3A_11 = vector.load %arg4[%swap3A, %swap3A_10] : memref<1000x32xf32, #tpu.memory_space<vmem>>, vector<1000x32xf32>
    tpu.vector_store %arg4[%swap3A, %swap3A_10], %add3A_9 {strides = array<i32>} : memref<1000x32xf32, #tpu.memory_space<vmem>>, vector<1000x32xf32>,
    return
  }
  func.func @transform_0(%arg0: i32) -> (i32, i32) {
    %c0_i32 = arith.constant 0 : i32
    %c0_i32_0 = arith.constant 0 : i32
    return %arg0, %c0_i32 : i32, i32
  }
  func.func @transform_1(%arg0: i32) -> (i32, i32) {
    %c0_i32 = arith.constant 0 : i32
    %c0_i32_0 = arith.constant 0 : i32
    %c0_i32_1 = arith.constant 0 : i32
    return %c0_i32, %c0_i32_0 : i32, i32
  }
  func.func @transform_2(%arg0: i32) -> (i32, i32) {
    %c0_i32 = arith.constant 0 : i32
    %c0_i32_0 = arith.constant 0 : i32
    %c0_i32_1 = arith.constant 0 : i32
    return %c0_i32, %c0_i32_0 : i32, i32
  }
  func.func @transform_3(%arg0: i32) -> (i32, i32) {
    %c0_i32 = arith.constant 0 : i32
    %c0_i32_0 = arith.constant 0 : i32
    return %arg0, %c0_i32 : i32, i32
  }
}

module attributes {stable_mosaic.version = 14 : i64} {
  func.func @_final_body(%arg0: i32, %arg1: memref<2x1000x128xf32, #tpu.memory_space<vmem>>, %arg2: memref<1000x32xf32, #tpu.memory_space<vmem>>, %arg3: memref<1000x32xf32, #tpu.memory_space<vmem>>, %arg4: memref<1000x32xf32, #tpu.memory_space<vmem>>) attributes {dimension_semantics = [#tpu.dimension_semantics<arbitrary>], iteration_bounds = array<i64: 10>, scalar_prefetch = 0 : i64, scratch_operands = 0 : i64, tpu.core_type = #tpu.core_type<tc>, window_params = [{transform_indices = @transform_0, window_bounds = array<i64: 2, 1000, 128>}, {transform_indices = @transform_1, window_bounds = array<i64: 1000, 32>}, {transform_indices = @transform_2, window_bounds = array<i64: 1000, 32>}, {transform_indices = @transform_3, window_bounds = array<i64: 1000, 32>}]} {
    %get3A = arith.constant 0 : index
    %get3A_0 = arith.constant 0 : index
    %get3A_1 = arith.constant 0 : index
    %get3A_2 = vector.load %arg1[%get3A, %get3A_0, %get3A_1] : memref<2x1000x128xf32, #tpu.memory_space<vmem>>, vector<1x1000x32xf32>
    %get3A_3 = vector.shape_cast %get3A_2 : vector<1x1000x32xf32> to vector<1000x32xf32>
    %get3A_4 = arith.constant 1 : index
    %get3A_5 = arith.constant 0 : index
    %get3A_6 = arith.constant 0 : index
    %get3A_7 = vector.load %arg1[%get3A_4, %get3A_5, %get3A_6] : memref<2x1000x128xf32, #tpu.memory_space<vmem>>, vector<1x1000x32xf32>
    %get3A_8 = vector.shape_cast %get3A_7 : vector<1x1000x32xf32> to vector<1000x32xf32>
    %add3A = arith.addf %get3A_3, %get3A_8 : vector<1000x32xf32>
    %get3A_9 = arith.constant 0 : index
    %get3A_10 = arith.constant 0 : index
    %get3A_11 = vector.load %arg2[%get3A_9, %get3A_10] : memref<1000x32xf32, #tpu.memory_space<vmem>>, vector<1000x32xf32>
    %mul3A = arith.mulf %add3A, %get3A_11 : vector<1000x32xf32>
    %get3A_12 = arith.constant 0 : index
    %get3A_13 = arith.constant 0 : index
    %get3A_14 = vector.load %arg3[%get3A_12, %get3A_13] : memref<1000x32xf32, #tpu.memory_space<vmem>>, vector<1000x32xf32>
    %add3A_15 = arith.addf %mul3A, %get3A_14 : vector<1000x32xf32>
    %swap3A = arith.constant 0 : index
    %swap3A_16 = arith.constant 0 : index
    %swap3A_17 = vector.load %arg4[%swap3A, %swap3A_16] : memref<1000x32xf32, #tpu.memory_space<vmem>>, vector<1000x32xf32>
    tpu.vector_store %arg4[%swap3A, %swap3A_16], %add3A_15 {strides = array<i32>} : memref<1000x32xf32, #tpu.memory_space<vmem>>, vector<1000x32xf32>,
    return
  }
  func.func @transform_0(%arg0: i32) -> (i32, i32, i32) {
    %c0_i32 = arith.constant 0 : i32
    %c0_i32_0 = arith.constant 0 : i32
    %c0_i32_1 = arith.constant 0 : i32
    return %c0_i32, %arg0, %c0_i32_0 : i32, i32, i32
  }
  func.func @transform_1(%arg0: i32) -> (i32, i32) {
    %c0_i32 = arith.constant 0 : i32
    %c0_i32_0 = arith.constant 0 : i32
    return %arg0, %c0_i32 : i32, i32
  }
  func.func @transform_2(%arg0: i32) -> (i32, i32) {
    %c0_i32 = arith.constant 0 : i32
    %c0_i32_0 = arith.constant 0 : i32
    return %arg0, %c0_i32 : i32, i32
  }
  func.func @transform_3(%arg0: i32) -> (i32, i32) {
    %c0_i32 = arith.constant 0 : i32
    %c0_i32_0 = arith.constant 0 : i32
    return %arg0, %c0_i32 : i32, i32
  }
}

</mosaic_0001>

<sc_bundles>
// kernel: kernel.12.cloned.1.call-start
scs
__scs_entry_jumppad:
0x0: {  	(pc) =	sbr.rel $0x88, $3  }
0x1: {  	(tag) =	ssettag $0x0;
	lr =	simm.s32 $0x1  }
0x2: {  	[smem:$0x3F99] =	sst lr;
	_ =	strace $0xD0000000  }
0x3: {  	_ = 	snop  }
0x4: {  	_ = 	snop  }
0x5: {  	_ = 	snop  }
0x6: {  	_ = 	snop  }
0x7: {  	_ = 	snop  }
__scs_overlays_trampoline_lowered:
0x8: {  	[smem:$0x3FA8] =	sst s0  }
0x9: {  	[smem:$0x3FA9] =	sst s1  }
0xa: {  	[smem:$0x3FAA] =	sst s2  }
0xb: {  	[smem:$0x3FAB] =	sst s3  }
0xc: {  	[smem:$0x3FAC] =	sst s4  }
0xd: {  	[smem:$0x3FAD] =	sst s5  }
0xe: {  	[smem:$0x3FAE] =	sst s6  }
0xf: {  	[smem:$0x3FAF] =	sst s7  }
0x10: {  	[smem:$0x3FB0] =	sst s8  }
0x11: {  	[smem:$0x3FB1] =	sst s9;
	s0 =	simm.s32 @!p0 $0x0  }
0x12: {  	s1 =	sld [smem:$0x3F97];
	s0 =	simm.s32 @p0 $0x1  }
0x13: {  	[smem:$0x3FB2] =	sst s0;
	s0 =	simm.s32 @!p1 $0x0  }
0x14: {  	s2 =	sld [smem:$0x3F96];
	s0 =	simm.s32 @p1 $0x1  }
0x15: {  	[smem:$0x3FB3] =	sst s0;
	s0 =	simm.s32 @!p2 $0x0  }
0x16: {  	s3 =	sld [smem:$0x3FDB];
	s0 =	simm.s32 @p2 $0x1  }
0x17: {  	s4 =	simm.s32 $0x1BF5;
	[smem:$0x3FB5] =	sst s0  }
0x18: {  	s0 =	sld [smem:$0x3F98];
	_ =	swait.ge [sflag:s4], $0x0  }
0x19: {  	s7 =	sld [smem:$0x3F99]  }
0x1a: {  	s8 =	sadd.s32 $0xFFFFE003, lr  }
0x1b: {  	s9 =	sadd.s32 $0xFFFFFEF7, lr;
	s5 =	simm.s32 $0xFFFFFFFF;
	p2 =	slt.u32 s8, $0xFFFFF086  }
0x1c: {  	p1 =	slt.u32 s9, $0xF7A;
	s5 =	simm.s32 @!p2 $0x0  }
0x1d: {  	s5 =	simm.s32 @p1 $0x1;
	p0 =	seq.s32 s7, s2  }
0x1e: {  	s7 =	smul.u32 @!p0 $0xF7A, s2;
	p2 =	seq.s32 @!p0 s5, $0x0  }
0x1f: {  	s9 =	smul.u32 $0xF7A, s1;
	s8 =	simm.s32 @!p0 $0x1BF5;
	p2 =	por !p2, p0  }
0x20: {  	[sflag:s8] =	ssyncset.s32 @!p0 $0xFFFFF086;
	s6 =	sadd.s32 @!p0 s3, s7;
	s7 =	simm.s32 @!p0 $0x108  }
0x21: {  	s3 =	sadd.s32 s3, s9;
	s6 =	sadd.s32 @!p0 $0x88, s6;
	s7 =	simm.s32 @p2 $0x1082  }
0x22: {  	[simem:s7], [sflag:s8] =	dma.local @!p0 [hbm:s6], $0xF7A  }
0x23: {  	s9 =	sor.u32 $0xD0000000, s2;
	s6 =	simm.s32 $0x108;
	_ =	swait.ge @!p0 [sflag:s8], $0x0  }
0x24: {  	s3 =	sadd.s32 $0x88, s3;
	s6 =	simm.s32 @!p1 $0x1082;
	[sflag:s4] =	ssyncset.s32 $0xFFFFF086  }
0x25: {  	[simem:s6], [sflag:s4] =	dma.local [hbm:s3], $0xF7A  }
0x26: {  	[smem:$0x3F99] =	sst s1;
	(tag) =	ssettag s2;
	_ =	strace s9  }
0x27: {  	s1 =	sld [smem:$0x3FA9]  }
0x28: {  	s2 =	sld [smem:$0x3FAA]  }
0x29: {  	s4 =	sld [smem:$0x3FAC]  }
0x2a: {  	p0 =	seq.s32 s5, $0x0;
	s5 =	sld [smem:$0x3FAD]  }
0x2b: {  	s6 =	sld [smem:$0x3FAE]  }
0x2c: {  	s7 =	sld [smem:$0x3FAF]  }
0x2d: {  	s3 =	simm.s32 $0x108;
	s8 =	sld [smem:$0x3FB0]  }
0x2e: {  	s3 =	simm.s32 @!p0 $0x1082;
	s9 =	sld [smem:$0x3FB1]  }
0x2f: {  	lr =	sadd.s32 s0, s3;
	s0 =	sld [smem:$0x3FA8]  }
0x30: {  	s3 =	sld [smem:$0x3FAB]  }
0x31: {  	[smem:$0x3FB4] =	sst s10  }
0x32: {  	s10 =	sld [smem:$0x3FB2];
	_ =	sdelay $0x3  }
0x33: {  	p0 =	seq.s32 s10, $0x1;
	s10 =	sld [smem:$0x3FB4];
	_ =	sdelay $0x3  }
0x34: {  	[smem:$0x3FB4] =	sst s10  }
0x35: {  	s10 =	sld [smem:$0x3FB3];
	_ =	sdelay $0x3  }
0x36: {  	p1 =	seq.s32 s10, $0x1;
	s10 =	sld [smem:$0x3FB4];
	_ =	sdelay $0x3  }
0x37: {  	[smem:$0x3FB4] =	sst s10  }
0x38: {  	s10 =	sld [smem:$0x3FB5]  }
0x39: {  	_ = 	snop;
	(pc) =	sbr.ind lr, $3  }
0x3a: {  	_ = 	snop  }
0x3b: {  	_ = 	snop  }
0x3c: {  	p2 =	seq.s32 s10, $0x1;
	s10 =	sld [smem:$0x3FB4]  }
0x3d: {  	_ =	shalt  }
0x3e: {  	_ =	shalt  }
0x3f: {  	_ =	shalt  }
0x40: {  	_ =	shalt  }
0x41: {  	_ =	shalt  }
0x42: {  	_ =	shalt  }
0x43: {  	_ =	shalt  }
0x44: {  	_ =	shalt  }
0x45: {  	_ =	shalt  }
0x46: {  	_ =	shalt  }
0x47: {  	_ =	shalt  }
0x48: {  	_ =	shalt  }
0x49: {  	_ =	shalt  }
0x4a: {  	_ =	shalt  }
0x4b: {  	_ =	shalt  }
0x4c: {  	_ =	shalt  }
0x4d: {  	_ =	shalt  }
0x4e: {  	_ =	shalt  }
0x4f: {  	_ =	shalt  }
0x50: {  	_ =	shalt  }
0x51: {  	_ =	shalt  }
0x52: {  	_ =	shalt  }
0x53: {  	_ =	shalt  }
0x54: {  	_ =	shalt  }
0x55: {  	_ =	shalt  }
0x56: {  	_ =	shalt  }
0x57: {  	_ =	shalt  }
0x58: {  	_ =	shalt  }
0x59: {  	_ =	shalt  }
0x5a: {  	_ =	shalt  }
0x5b: {  	_ =	shalt  }
0x5c: {  	_ =	shalt  }
0x5d: {  	_ =	shalt  }
0x5e: {  	_ =	shalt  }
0x5f: {  	_ =	shalt  }
0x60: {  	_ =	shalt  }
0x61: {  	_ =	shalt  }
0x62: {  	_ =	shalt  }
0x63: {  	_ =	shalt  }
0x64: {  	_ =	shalt  }
0x65: {  	_ =	shalt  }
0x66: {  	_ =	shalt  }
0x67: {  	_ =	shalt  }
0x68: {  	_ =	shalt  }
0x69: {  	_ =	shalt  }
0x6a: {  	_ =	shalt  }
0x6b: {  	_ =	shalt  }
0x6c: {  	_ =	shalt  }
0x6d: {  	_ =	shalt  }
0x6e: {  	_ =	shalt  }
0x6f: {  	_ =	shalt  }
0x70: {  	_ =	shalt  }
0x71: {  	_ =	shalt  }
0x72: {  	_ =	shalt  }
0x73: {  	_ =	shalt  }
0x74: {  	_ =	shalt  }
0x75: {  	_ =	shalt  }
0x76: {  	_ =	shalt  }
0x77: {  	_ =	shalt  }
0x78: {  	_ =	shalt  }
0x79: {  	_ =	shalt  }
0x7a: {  	_ =	shalt  }
0x7b: {  	_ =	shalt  }
0x7c: {  	_ =	shalt  }
0x7d: {  	_ =	shalt  }
0x7e: {  	_ =	shalt  }
0x7f: {  	_ =	shalt  }
0x80: {  	_ =	shalt  }
0x81: {  	_ =	shalt  }
0x82: {  	_ =	shalt  }
0x83: {  	_ =	shalt  }
0x84: {  	_ =	shalt  }
0x85: {  	_ =	shalt  }
0x86: {  	_ =	shalt  }
0x87: {  	_ =	shalt  }
.Lfunc_end0:
.L_simem_size_0:
called_computation.1_lowered:
.L_overlay_start_0:
0x88: {  	s2 =	sld [smem:$0x3FD9]  }
0x89: {  	s3 =	sld [smem:$0x3FFE];
	_ =	sdelay $0x1  }
0x8a: {  	s1 =	srdreg.scid  }
0x8b: {  	s0 =	sand.u32 $0x1, s1  }
0x8c: {  	s17 =	sshll.u32 s0, $0xA;
	s2 =	sadd.s32 s3, s2  }
0x8d: {  	s2 =	sadd.s32 s2, s17  }
0x8e: {  	[smem:$0x3FC0] =	sst s2  }
0x8f: {  	_ = 	snop  }
0x90: {  	s2 =	sld [smem:$0x3FD0];
	(tm) =	ssettm $0x1  }
0x91: {  	s18 =	sld [smem:$0x3FFB];
	_ =	sdelay $0x3  }
0x92: {  	_ =	strace s18  }
0x93: {  	s3 =	sld [smem:$0x3FFC];
	_ =	sdelay $0x3  }
0x94: {  	_ =	strace s3  }
0x95: {  	s3 =	sld [smem:$0x3FFD];
	_ =	sdelay $0x3  }
0x96: {  	_ =	strace s3  }
0x97: {  	_ =	strace $0x8FFFFFFF  }
0x98: {  	s19 =	sld [smem:$0x3FDB];
	_ =	sdelay $0x1  }
0x99: {  	s4 =	simm.s32 $_scs_section_size  }
0x9a: {  	s5 =	simm.s32 $_size__tile_overlayer_lowered;
	s6 =	simm.s32 $_tile_overlayer_lowered  }
0x9b: {  	s22 =	simm.s32 $0x1BFF;
	s21 =	sshll.u32 s6, $0x1;
	s3 =	sadd.s32 s4, s19  }
0x9c: {  	s7 =	simm.s32 $0x0;
	s20 =	sshll.u32 s5, $0x1;
	s5 =	sadd.s32 s21, s3  }
0x9d: {  	[timem:s7], [sflag:s22] =	dma.local [hbm:s5], s20  }
0x9e: {  	_ =	swait.ge [sflag:s22], s20  }
0x9f: {  	s4 =	ssub.s32 $0x0, s20;
	[sflag:s22] =	ssyncset.done $0x0  }
0xa0: {  	[sflag:s22] =	ssyncadd.s32 s4;
	_ =	sdelay $0x1  }
0xa1: {  	s23 =	simm.s32 $0x1B8B  }
0xa2: {  	_ =	swait.ge [sflag:s23], $0x1  }
0xa3: {  	[sflag:s23] =	ssyncset.done $0x0  }
0xa4: {  	s25 =	simm.s32 $0x1B8E;
	s24 =	sld [smem:$0x3FFE];
	[sflag:s23] =	ssyncadd.s32 $0xFFFFFFFF  }
0xa5: {  	s26 =	simm.s32 $execute0_lowered;
	[smem:$0x3FD2] =	sst s25  }
0xa6: {  	s5 =	sshll.u32 s26, $0x1;
	_ =	strace $0x80000049;
	[dreg:$0x1] =	wrdreg $0xFFFFFFFF  }
0xa7: {  	s28 =	simm.s32 $_size_execute0_lowered;
	s3 =	sadd.s32 s3, s5;
	[dreg:$0x0] =	wrdreg $0x0  }
0xa8: {  	s5 =	sshll.u32 s28, $0x1;
	[dreg:$0x2] =	wrdreg s3  }
0xa9: {  	[dreg:$0x3] =	wrdreg s5  }
0xaa: {  	[dreg:$0x4] =	wrdreg $0xC0  }
0xab: {  	_ =	task [dreg:s7], $0x5FFFF  }
0xac: {  	[dreg:$0x1] =	wrdreg $0xFFFFFFFF  }
0xad: {  	[dreg:$0x0] =	wrdreg $0x60  }
0xae: {  	[dreg:$0x2] =	wrdreg s2  }
0xaf: {  	[dreg:$0x3] =	wrdreg s24  }
0xb0: {  	[dreg:$0x4] =	wrdreg $0x110000  }
0xb1: {  	[dreg:$0x5] =	wrdreg $0x9  }
0xb2: {  	_ =	task.clear_ibuf [dreg:s7], $0x6FFFF;
	_ =	strace $0x90000049  }
0xb3: {  	s29 =	simm.s32 $0x9;
	_ =	strace $0x8000004B  }
0xb4: {  	_ =	swait.ge [sflag:s29], $0x1  }
0xb5: {  	[sflag:s29] =	ssyncadd.s32 $0xFFFFFFFF  }
0xb6: {  	_ =	strace $0x9000004B  }
0xb7: {  	_ =	sfence  }
0xb8: {  	s30 =	sld [smem:$0x0];
	_ =	sdelay $0x2  }
0xb9: {  	s31 =	sshll.u32 s1, $0xD;
	s1 =	sshrl.u32 s1, $0x2  }
0xba: {  	s3 =	sand.u32 $0x4000, s31;
	s1 =	sadd.s32 s1, s30  }
0xbb: {  	s0 =	sor.u32 s3, s0;
	s1 =	sshll.u32 s1, $0x11  }
0xbc: {  	s0 =	sor.u32 s1, s0  }
0xbd: {  	s0 =	sadd.s32 $0x8F2B, s0  }
0xbe: {  	[sflag:s0] =	ssyncadd.remote.s32 $0x1  }
0xbf: {  	_ =	sfence.sel $0xFFFF  }
0xc0: {  	[dreg:$0x0] =	wrdreg $0xFFFFFFFF;
	(pc) =	sbr.abs _section_cstart, $3  }
0xc1: {  	[dreg:$0x1] =	wrdreg $0xFFFFFFFF  }
0xc2: {  	_ =	task.clear_ibuf [dreg:s7], $0x2FFFF;
	_ =	strace $0x9FFFFFFF  }
0xc3: {  	(tm) =	ssettm $0x7FFFFFFF  }
tec
execute0_lowered:
.L_overlay_start_1:
0x0: {  	(tag) =	ssettag $0x1  }
0x1: {  	s3 =	rddreg [dreg:$0x0]  }
0x2: {  	s4 =	rddreg [dreg:$0x1]  }
0x3: {  	s2 =	rddreg [dreg:$0x2]  }
0x4: {  	s26 =	rddreg [dreg:$0x3];
	s22 =	simm.s32 $0x0  }
0x5: {  	s13 =	simm.s32 $0x400;
	[smem:$0x7FF] =	sst s22  }
0x6: {  	s15 =	simm.s32 $0x600;
	_ =	strace $0x8000004A;
	[dreg:$0x9] =	wrdreg s13  }
0x7: {  	s16 =	simm.s32 $0x2A00;
	[dreg:$0xa] =	wrdreg s15  }
0x8: {  	s0 =	srdreg.scid;
	s17 =	simm.s32 $0x800;
	[dreg:$0xb] =	wrdreg s16  }
0x9: {  	s14 =	stileid.u32;
	s18 =	simm.s32 $0x2C00;
	[dreg:$0xc] =	wrdreg s17  }
0xa: {  	s19 =	simm.s32 $0xA00;
	s20 =	simm.s32 $0x2E00;
	[dreg:$0xd] =	wrdreg s18  }
0xb: {  	s21 =	simm.s32 $0xC00;
	s24 =	simm.s32 $0x3000;
	[dreg:$0xe] =	wrdreg s19  }
0xc: {  	s25 =	simm.s32 $0xE00;
	s31 =	simm.s32 $0x4400;
	[dreg:$0xf] =	wrdreg s20  }
0xd: {  	s30 =	simm.s32 $0x2200;
	p1 =	por $0x0, $0x0;
	[dreg:$0x10] =	wrdreg s21  }
0xe: {  	s0 =	sand.u32 $0x1, s0;
	s6 =	smul.u32 $0x4E20, s14;
	[dreg:$0x11] =	wrdreg s24  }
0xf: {  	s28 =	smul.u32 $0x13880, s14;
	[dreg:$0x12] =	wrdreg s25;
	s13 =	simm.s32 $0x3A00  }
0x10: {  	s1 =	sshll.u32 s0, $0x4;
	s15 =	simm.s32 $0x1800;
	[dreg:$0x1b] =	wrdreg s13  }
0x11: {  	s8 =	smul.u32 $0x138800, s0;
	s16 =	simm.s32 $0x3C00;
	[dreg:$0x1c] =	wrdreg s15  }
0x12: {  	s0 =	ssub.s32 $0x2, s0;
	s17 =	simm.s32 $0x1A00;
	[dreg:$0x1d] =	wrdreg s16  }
0x13: {  	s24 =	simm.s32 $0x2800;
	s18 =	simm.s32 $0x3E00;
	[dreg:$0x1e] =	wrdreg s17  }
0x14: {  	s19 =	sshll.u32 s14, $0x6;
	s20 =	simm.s32 $0x1C00;
	[dreg:$0x1f] =	wrdreg s18  }
0x15: {  	s21 =	simm.s32 $0x4000;
	s25 =	simm.s32 $0x1E00;
	[smem:$0x7F9] =	sst s20  }
0x16: {  	s1 =	sor.u32 s14, s1;
	s9 =	sshrl.u32 s6, $0x3;
	[smem:$0x7FA] =	sst s21  }
0x17: {  	[smem:$0x7FB] =	sst s25;
	s16 =	simm.s32 $0x2;
	s13 =	simm.s32 $0x3  }
0x18: {  	s21 =	simm.s32 $0x4600;
	s20 =	simm.s32 $0x2400;
	s18 =	simm.s32 $0x4A00  }
0x19: {  	s17 =	simm.s32 $0x4C00;
	s15 =	simm.s32 $0x10;
	s5 =	smul.u32 $0x13, s1  }
0x1a: {  	s7 =	smin.u32 s1, $0x11;
	s29 =	sadd.s32 s9, s4;
	s9 =	simm.s32 $0x1400  }
0x1b: {  	p0 =	sgt.u32 s1, $0x10;
	s11 =	sadd.s32 $0x15200, s29;
	[dreg:$0x18] =	wrdreg s9  }
0x1c: {  	s29 =	simm.s32 $0x1000;
	s5 =	sadd.s32 s7, s5;
	[dreg:$0x4] =	wrdreg s11  }
0x1d: {  	s7 =	sadd.s32 s28, s8;
	s28 =	simm.s32 $0x3200;
	[dreg:$0x14] =	wrdreg s29  }
0x1e: {  	s9 =	simm.s32 $0x1;
	s8 =	simm.s32 $0x3600;
	[dreg:$0x13] =	wrdreg s28  }
0x1f: {  	s11 =	simm.s32 $0x3800;
	s29 =	simm.s32 $0x2000;
	[dreg:$0x17] =	wrdreg s8  }
0x20: {  	s5 =	sshll.u32 s5, $0x6;
	s7 =	sshrl.u32 s7, $0x3;
	[dreg:$0x19] =	wrdreg s11  }
0x21: {  	s8 =	simm.s32 $0x5000;
	s11 =	simm.s32 $0x9000;
	s28 =	simm.s32 $0x4200  }
0x22: {  	[smem:$0x7FD] =	sst s29;
	s5 =	sadd.s32 s5, s4;
	s4 =	sadd.s32 s7, s4  }
0x23: {  	s7 =	sshrl.u32 s0, $0x1;
	[smem:$0x7FC] =	sst s28;
	s10 =	sadd.s32 $0x1800, s5  }
0x24: {  	s23 =	sadd.s32 $0x1CC0, s5;
	s4 =	sadd.s32 $0x1F000, s4;
	s0 =	ssub.s32 s0, s7  }
0x25: {  	s12 =	sadd.s32 $0xB440, s5;
	[dreg:$0x6] =	wrdreg s10;
	s0 =	smax.u32 s0, $0x1  }
0x26: {  	s5 =	simm.s32 $0x1200;
	[dreg:$0x5] =	wrdreg s4;
	s0 =	sadd.s32 $0xFFFFFFFF, s0  }
0x27: {  	[dreg:$0x7] =	wrdreg s12;
	s1 =	sadd.s32 @!p0 $0x9C40, s23;
	p2 =	sne.s32 s0, $0x0  }
.Ltmp0:
0x28: {  	s4 =	simm.s32 $0x3400;
	[dreg:$0x16] =	wrdreg s5;
	(pc) =	sbr.rel @!p2 .LBB2_5-.Ltmp0, $4  }
0x29: {  	s10 =	sadd.s32 s6, s2;
	s12 =	simm.s32 $0x1600;
	[dreg:$0x8] =	wrdreg s1  }
0x2a: {  	s6 =	simm.s32 $0x200;
	s5 =	sor.u32 $0x1C04, s19;
	[dreg:$0x15] =	wrdreg s4  }
0x2b: {  	s19 =	simm.s32 $0x4800;
	[dreg:$0x1a] =	wrdreg s12;
	s4 =	simm.s32 $0x4  }
0x2c: {  	s7 =	sshrl.u32 s10, $0x3;
	s12 =	simm.s32 $0xD000;
	s10 =	rddreg [dreg:$0x6]  }
0x2d: {  	[tilespmem:s22], [sflag:$0x4] =	stream.linear.gather [hbm4b:s10+s22], $0x2600, $0x38;
	[tilespmem:$0x15E20] =	vst v63  }
0x2e: {  	s1 =	rddreg [dreg:$0x7]  }
0x2f: {  	[tilespmem:s24], [sflag:$0x4] =	stream.linear.gather [hbm4b:s1+s22], $0x2600, $0x38;
	[tilespmem:$0x15E20] =	vst v63  }
0x30: {  	_ =	swait.ge [sflag:s4], $0x4C00  }
0x31: {  	[sflag:s4] =	ssyncset.done $0x0  }
0x32: {  	s25 =	simm.s32 @!p0 $0x2600;
	s26 =	simm.s32 @!p0 $0x0;
	[sflag:s4] =	ssyncadd.s32 $0xFFFFB400  }
0x33: {  	[tilespmem:s25], [sflag:$0x4] =	stream.linear.gather @!p0 [hbm4b:s23+s26], $0x200, $0x38;
	[tilespmem:$0x15E20] =	vst v63  }
0x34: {  	s28 =	simm.s32 @!p0 $0x4E00;
	s29 =	simm.s32 @!p0 $0x4;
	s1 =	rddreg [dreg:$0x8]  }
0x35: {  	[tilespmem:s28], [sflag:$0x4] =	stream.linear.gather @!p0 [hbm4b:s1+s26], $0x200, $0x38;
	[tilespmem:$0x15E20] =	vst v63  }
0x36: {  	_ =	swait.ge @!p0 [sflag:s29], $0x400  }
0x37: {  	[sflag:s29] =	ssyncset.done @!p0 $0x0  }
0x38: {  	[sflag:s29] =	ssyncadd.s32 @!p0 $0xFFFFFC00  }
0x39: {  	[tilespmem:s8], [sflag:$0x1] =	stream.indirect.gather [hbm4b:s3+s6], $0x20, s22, s6, $0xb8;
	[tilespmem:$0x15E20] =	vst v63  }
0x3a: {  	s17 =	rddreg [dreg:$0x4]  }
0x3b: {  	[tilespmem:s11], [sflag:$0x2] =	stream.indirect.gather [hbm4b:s3+s6], $0x20, s6, s6, $0xb8;
	[tilespmem:$0x15E20] =	vst v63  }
0x3c: {  	[spmem:s7], [sflag:s5] =	dma.local [hbm:s17], $0x9C4  }
0x3d: {  	_ =	swait.ge [sflag:s4], $0x9C4  }
0x3e: {  	[sflag:s4] =	ssyncset.done $0x0  }
0x3f: {  	[sflag:s4] =	ssyncadd.s32 $0xFFFFF63C  }
0x40: {  	[bflag:$0x0] =	sbarrier.arrive $0xFFFF  }
0x41: {  	s15 =	rddreg [dreg:$0x9]  }
0x42: {  	[tilespmem:s12], [sflag:$0x3] =	stream.indirect.gather [hbm4b:s3+s6], $0x20, s15, s6, $0xb8;
	[tilespmem:$0x15E20] =	vst v63  }
0x43: {  	_ =	swait.ge [sflag:s9], $0x4000  }
0x44: {  	[sflag:s9] =	ssyncset.done $0x0  }
0x45: {  	[sflag:s9] =	ssyncadd.s32 $0xFFFFC000  }
0x46: {  	[spmem:s2] =	stream.indirect.scatter.add.f32 [tilespmem:s8], [sflag:$0x4], $0x20, s24, s6, $0xb8;
	[tilespmem:$0x15E20] =	vst v63  }
0x47: {  	_ =	swait.ge [sflag:s4], $0x4000  }
0x48: {  	[sflag:s4] =	ssyncset.done $0x0  }
0x49: {  	s17 =	rddreg [dreg:$0xa];
	[sflag:s4] =	ssyncadd.s32 $0xFFFFC000  }
0x4a: {  	[tilespmem:s8], [sflag:$0x1] =	stream.indirect.gather [hbm4b:s3+s6], $0x20, s17, s6, $0xb8;
	[tilespmem:$0x15E20] =	vst v63  }
0x4b: {  	_ =	swait.ge [sflag:s16], $0x4000  }
0x4c: {  	[sflag:s16] =	ssyncset.done $0x0  }
0x4d: {  	s15 =	rddreg [dreg:$0xb];
	[sflag:s16] =	ssyncadd.s32 $0xFFFFC000  }
0x4e: {  	[spmem:s2] =	stream.indirect.scatter.add.f32 [tilespmem:s11], [sflag:$0x4], $0x20, s15, s6, $0xb8;
	[tilespmem:$0x15E20] =	vst v63  }
0x4f: {  	_ =	swait.ge [sflag:s4], $0x4000  }
0x50: {  	[sflag:s4] =	ssyncset.done $0x0  }
0x51: {  	s17 =	rddreg [dreg:$0xc];
	[sflag:s4] =	ssyncadd.s32 $0xFFFFC000  }
0x52: {  	[tilespmem:s11], [sflag:$0x2] =	stream.indirect.gather [hbm4b:s3+s6], $0x20, s17, s6, $0xb8;
	[tilespmem:$0x15E20] =	vst v63  }
0x53: {  	_ =	swait.ge [sflag:s13], $0x4000  }
0x54: {  	[sflag:s13] =	ssyncset.done $0x0  }
0x55: {  	s15 =	rddreg [dreg:$0xd];
	[sflag:s13] =	ssyncadd.s32 $0xFFFFC000  }
0x56: {  	[spmem:s2] =	stream.indirect.scatter.add.f32 [tilespmem:s12], [sflag:$0x4], $0x20, s15, s6, $0xb8;
	[tilespmem:$0x15E20] =	vst v63  }
0x57: {  	_ =	swait.ge [sflag:s4], $0x4000  }
0x58: {  	[sflag:s4] =	ssyncset.done $0x0  }
0x59: {  	s17 =	rddreg [dreg:$0xe];
	[sflag:s4] =	ssyncadd.s32 $0xFFFFC000  }
0x5a: {  	[tilespmem:s12], [sflag:$0x3] =	stream.indirect.gather [hbm4b:s3+s6], $0x20, s17, s6, $0xb8;
	[tilespmem:$0x15E20] =	vst v63  }
0x5b: {  	_ =	swait.ge [sflag:s9], $0x4000  }
0x5c: {  	[sflag:s9] =	ssyncset.done $0x0  }
0x5d: {  	s15 =	rddreg [dreg:$0xf];
	[sflag:s9] =	ssyncadd.s32 $0xFFFFC000  }
0x5e: {  	[spmem:s2] =	stream.indirect.scatter.add.f32 [tilespmem:s8], [sflag:$0x4], $0x20, s15, s6, $0xb8;
	[tilespmem:$0x15E20] =	vst v63  }
0x5f: {  	_ =	swait.ge [sflag:s4], $0x4000  }
0x60: {  	[sflag:s4] =	ssyncset.done $0x0  }
0x61: {  	s17 =	rddreg [dreg:$0x10];
	[sflag:s4] =	ssyncadd.s32 $0xFFFFC000  }
0x62: {  	[tilespmem:s8], [sflag:$0x1] =	stream.indirect.gather [hbm4b:s3+s6], $0x20, s17, s6, $0xb8;
	[tilespmem:$0x15E20] =	vst v63  }
0x63: {  	_ =	swait.ge [sflag:s16], $0x4000  }
0x64: {  	[sflag:s16] =	ssyncset.done $0x0  }
0x65: {  	s15 =	rddreg [dreg:$0x11];
	[sflag:s16] =	ssyncadd.s32 $0xFFFFC000  }
0x66: {  	[spmem:s2] =	stream.indirect.scatter.add.f32 [tilespmem:s11], [sflag:$0x4], $0x20, s15, s6, $0xb8;
	[tilespmem:$0x15E20] =	vst v63  }
0x67: {  	_ =	swait.ge [sflag:s4], $0x4000  }
0x68: {  	[sflag:s4] =	ssyncset.done $0x0  }
0x69: {  	s17 =	rddreg [dreg:$0x12];
	[sflag:s4] =	ssyncadd.s32 $0xFFFFC000  }
0x6a: {  	[tilespmem:s11], [sflag:$0x2] =	stream.indirect.gather [hbm4b:s3+s6], $0x20, s17, s6, $0xb8;
	[tilespmem:$0x15E20] =	vst v63  }
0x6b: {  	_ =	swait.ge [sflag:s13], $0x4000  }
0x6c: {  	[sflag:s13] =	ssyncset.done $0x0  }
0x6d: {  	s15 =	rddreg [dreg:$0x13];
	[sflag:s13] =	ssyncadd.s32 $0xFFFFC000  }
0x6e: {  	[spmem:s2] =	stream.indirect.scatter.add.f32 [tilespmem:s12], [sflag:$0x4], $0x20, s15, s6, $0xb8;
	[tilespmem:$0x15E20] =	vst v63  }
0x6f: {  	_ =	swait.ge [sflag:s4], $0x4000  }
0x70: {  	[sflag:s4] =	ssyncset.done $0x0  }
0x71: {  	s17 =	rddreg [dreg:$0x14];
	[sflag:s4] =	ssyncadd.s32 $0xFFFFC000  }
0x72: {  	[tilespmem:s12], [sflag:$0x3] =	stream.indirect.gather [hbm4b:s3+s6], $0x20, s17, s6, $0xb8;
	[tilespmem:$0x15E20] =	vst v63  }
0x73: {  	_ =	swait.ge [sflag:s9], $0x4000  }
0x74: {  	[sflag:s9] =	ssyncset.done $0x0  }
0x75: {  	s15 =	rddreg [dreg:$0x15];
	[sflag:s9] =	ssyncadd.s32 $0xFFFFC000  }
0x76: {  	[spmem:s2] =	stream.indirect.scatter.add.f32 [tilespmem:s8], [sflag:$0x4], $0x20, s15, s6, $0xb8;
	[tilespmem:$0x15E20] =	vst v63  }
0x77: {  	_ =	swait.ge [sflag:s4], $0x4000  }
0x78: {  	[sflag:s4] =	ssyncset.done $0x0  }
0x79: {  	s17 =	rddreg [dreg:$0x16];
	[sflag:s4] =	ssyncadd.s32 $0xFFFFC000  }
0x7a: {  	[tilespmem:s8], [sflag:$0x1] =	stream.indirect.gather [hbm4b:s3+s6], $0x20, s17, s6, $0xb8;
	[tilespmem:$0x15E20] =	vst v63  }
0x7b: {  	_ =	swait.ge [sflag:s16], $0x4000  }
0x7c: {  	[sflag:s16] =	ssyncset.done $0x0  }
0x7d: {  	s15 =	rddreg [dreg:$0x17];
	[sflag:s16] =	ssyncadd.s32 $0xFFFFC000  }
0x7e: {  	[spmem:s2] =	stream.indirect.scatter.add.f32 [tilespmem:s11], [sflag:$0x4], $0x20, s15, s6, $0xb8;
	[tilespmem:$0x15E20] =	vst v63  }
0x7f: {  	_ =	swait.ge [sflag:s4], $0x4000  }
0x80: {  	[sflag:s4] =	ssyncset.done $0x0  }
0x81: {  	s17 =	rddreg [dreg:$0x18];
	[sflag:s4] =	ssyncadd.s32 $0xFFFFC000  }
0x82: {  	[tilespmem:s11], [sflag:$0x2] =	stream.indirect.gather [hbm4b:s3+s6], $0x20, s17, s6, $0xb8;
	[tilespmem:$0x15E20] =	vst v63  }
0x83: {  	_ =	swait.ge [sflag:s13], $0x4000  }
0x84: {  	[sflag:s13] =	ssyncset.done $0x0  }
0x85: {  	s15 =	rddreg [dreg:$0x19];
	[sflag:s13] =	ssyncadd.s32 $0xFFFFC000  }
0x86: {  	[spmem:s2] =	stream.indirect.scatter.add.f32 [tilespmem:s12], [sflag:$0x4], $0x20, s15, s6, $0xb8;
	[tilespmem:$0x15E20] =	vst v63  }
0x87: {  	_ =	swait.ge [sflag:s4], $0x4000  }
0x88: {  	[sflag:s4] =	ssyncset.done $0x0  }
0x89: {  	s17 =	rddreg [dreg:$0x1a];
	[sflag:s4] =	ssyncadd.s32 $0xFFFFC000  }
0x8a: {  	[tilespmem:s12], [sflag:$0x3] =	stream.indirect.gather [hbm4b:s3+s6], $0x20, s17, s6, $0xb8;
	[tilespmem:$0x15E20] =	vst v63  }
0x8b: {  	_ =	swait.ge [sflag:s9], $0x4000  }
0x8c: {  	[sflag:s9] =	ssyncset.done $0x0  }
0x8d: {  	s15 =	rddreg [dreg:$0x1b];
	[sflag:s9] =	ssyncadd.s32 $0xFFFFC000  }
0x8e: {  	[spmem:s2] =	stream.indirect.scatter.add.f32 [tilespmem:s8], [sflag:$0x4], $0x20, s15, s6, $0xb8;
	[tilespmem:$0x15E20] =	vst v63  }
0x8f: {  	_ =	swait.ge [sflag:s4], $0x4000  }
0x90: {  	[sflag:s4] =	ssyncset.done $0x0  }
0x91: {  	s17 =	rddreg [dreg:$0x1c];
	[sflag:s4] =	ssyncadd.s32 $0xFFFFC000  }
0x92: {  	[tilespmem:s8], [sflag:$0x1] =	stream.indirect.gather [hbm4b:s3+s6], $0x20, s17, s6, $0xb8;
	[tilespmem:$0x15E20] =	vst v63  }
0x93: {  	_ =	swait.ge [sflag:s16], $0x4000  }
0x94: {  	[sflag:s16] =	ssyncset.done $0x0  }
0x95: {  	s15 =	rddreg [dreg:$0x1d];
	[sflag:s16] =	ssyncadd.s32 $0xFFFFC000  }
0x96: {  	[spmem:s2] =	stream.indirect.scatter.add.f32 [tilespmem:s11], [sflag:$0x4], $0x20, s15, s6, $0xb8;
	[tilespmem:$0x15E20] =	vst v63  }
0x97: {  	_ =	swait.ge [sflag:s4], $0x4000  }
0x98: {  	[sflag:s4] =	ssyncset.done $0x0  }
0x99: {  	s17 =	rddreg [dreg:$0x1e];
	[sflag:s4] =	ssyncadd.s32 $0xFFFFC000  }
0x9a: {  	[tilespmem:s11], [sflag:$0x2] =	stream.indirect.gather [hbm4b:s3+s6], $0x20, s17, s6, $0xb8;
	[tilespmem:$0x15E20] =	vst v63  }
0x9b: {  	_ =	swait.ge [sflag:s13], $0x4000  }
0x9c: {  	[sflag:s13] =	ssyncset.done $0x0  }
0x9d: {  	s15 =	rddreg [dreg:$0x1f];
	[sflag:s13] =	ssyncadd.s32 $0xFFFFC000  }
0x9e: {  	[spmem:s2] =	stream.indirect.scatter.add.f32 [tilespmem:s12], [sflag:$0x4], $0x20, s15, s6, $0xb8;
	[tilespmem:$0x15E20] =	vst v63  }
0x9f: {  	_ =	swait.ge [sflag:s4], $0x4000  }
0xa0: {  	s17 =	sld [smem:$0x7F9]  }
0xa1: {  	[sflag:s4] =	ssyncset.done $0x0  }
0xa2: {  	[sflag:s4] =	ssyncadd.s32 $0xFFFFC000  }
0xa3: {  	[tilespmem:s12], [sflag:$0x3] =	stream.indirect.gather [hbm4b:s3+s6], $0x20, s17, s6, $0xb8;
	[tilespmem:$0x15E20] =	vst v63  }
0xa4: {  	_ =	swait.ge [sflag:s9], $0x4000  }
0xa5: {  	s15 =	sld [smem:$0x7FA]  }
0xa6: {  	[sflag:s9] =	ssyncset.done $0x0  }
0xa7: {  	[sflag:s9] =	ssyncadd.s32 $0xFFFFC000  }
0xa8: {  	[spmem:s2] =	stream.indirect.scatter.add.f32 [tilespmem:s8], [sflag:$0x4], $0x20, s15, s6, $0xb8;
	[tilespmem:$0x15E20] =	vst v63  }
0xa9: {  	_ =	swait.ge [sflag:s4], $0x4000  }
0xaa: {  	s17 =	sld [smem:$0x7FB]  }
0xab: {  	[sflag:s4] =	ssyncset.done $0x0  }
0xac: {  	[sflag:s4] =	ssyncadd.s32 $0xFFFFC000  }
0xad: {  	[tilespmem:s8], [sflag:$0x1] =	stream.indirect.gather [hbm4b:s3+s6], $0x20, s17, s6, $0xb8;
	[tilespmem:$0x15E20] =	vst v63  }
0xae: {  	_ =	swait.ge [sflag:s16], $0x4000  }
0xaf: {  	s15 =	sld [smem:$0x7FC]  }
0xb0: {  	[sflag:s16] =	ssyncset.done $0x0  }
0xb1: {  	[sflag:s16] =	ssyncadd.s32 $0xFFFFC000  }
0xb2: {  	[spmem:s2] =	stream.indirect.scatter.add.f32 [tilespmem:s11], [sflag:$0x4], $0x20, s15, s6, $0xb8;
	[tilespmem:$0x15E20] =	vst v63  }
0xb3: {  	_ =	swait.ge [sflag:s4], $0x4000  }
0xb4: {  	s17 =	sld [smem:$0x7FD]  }
0xb5: {  	[sflag:s4] =	ssyncset.done $0x0  }
0xb6: {  	[sflag:s4] =	ssyncadd.s32 $0xFFFFC000  }
0xb7: {  	[tilespmem:s11], [sflag:$0x2] =	stream.indirect.gather [hbm4b:s3+s6], $0x20, s17, s6, $0xb8;
	[tilespmem:$0x15E20] =	vst v63  }
0xb8: {  	_ =	swait.ge [sflag:s13], $0x4000  }
0xb9: {  	[sflag:s13] =	ssyncset.done $0x0  }
0xba: {  	[sflag:s13] =	ssyncadd.s32 $0xFFFFC000  }
0xbb: {  	[spmem:s2] =	stream.indirect.scatter.add.f32 [tilespmem:s12], [sflag:$0x4], $0x20, s31, s6, $0xb8;
	[tilespmem:$0x15E20] =	vst v63  }
0xbc: {  	_ =	swait.ge [sflag:s4], $0x4000  }
0xbd: {  	[sflag:s4] =	ssyncset.done $0x0  }
0xbe: {  	[sflag:s4] =	ssyncadd.s32 $0xFFFFC000  }
0xbf: {  	[tilespmem:s12], [sflag:$0x3] =	stream.indirect.gather [hbm4b:s3+s6], $0x20, s30, s6, $0xb8;
	[tilespmem:$0x15E20] =	vst v63  }
0xc0: {  	_ =	swait.ge [sflag:s9], $0x4000  }
0xc1: {  	[sflag:s9] =	ssyncset.done $0x0  }
0xc2: {  	[sflag:s9] =	ssyncadd.s32 $0xFFFFC000  }
0xc3: {  	[spmem:s2] =	stream.indirect.scatter.add.f32 [tilespmem:s8], [sflag:$0x4], $0x20, s21, s6, $0xb8;
	[tilespmem:$0x15E20] =	vst v63  }
0xc4: {  	_ =	swait.ge [sflag:s4], $0x4000  }
0xc5: {  	[sflag:s4] =	ssyncset.done $0x0  }
0xc6: {  	[sflag:s4] =	ssyncadd.s32 $0xFFFFC000  }
0xc7: {  	[tilespmem:s8], [sflag:$0x1] =	stream.indirect.gather [hbm4b:s3+s6], $0x20, s20, s6, $0xb8;
	[tilespmem:$0x15E20] =	vst v63  }
0xc8: {  	_ =	swait.ge [sflag:s16], $0x4000  }
0xc9: {  	[sflag:s16] =	ssyncset.done $0x0  }
0xca: {  	[sflag:s16] =	ssyncadd.s32 $0xFFFFC000  }
0xcb: {  	[spmem:s2] =	stream.indirect.scatter.add.f32 [tilespmem:s11], [sflag:$0x4], $0x20, s19, s6, $0xb8;
	[tilespmem:$0x15E20] =	vst v63  }
0xcc: {  	_ =	swait.ge [sflag:s4], $0x4000  }
0xcd: {  	[sflag:s4] =	ssyncset.done $0x0  }
0xce: {  	s31 =	simm.s32 @!p0 $0x9000;
	s30 =	simm.s32 @!p0 $0x200;
	[sflag:s4] =	ssyncadd.s32 $0xFFFFC000  }
0xcf: {  	[tilespmem:s31], [sflag:$0x2] =	stream.indirect.gather @!p0 [hbm4b:s3+s30], $0x20, s25, s30, $0xb8;
	[tilespmem:$0x15E20] =	vst v63  }
0xd0: {  	_ =	swait.ge [sflag:s13], $0x4000  }
0xd1: {  	[sflag:s13] =	ssyncset.done $0x0  }
0xd2: {  	s18 =	simm.s32 $0x4A00;
	[sflag:s13] =	ssyncadd.s32 $0xFFFFC000  }
0xd3: {  	[spmem:s2] =	stream.indirect.scatter.add.f32 [tilespmem:s12], [sflag:$0x4], $0x20, s18, s6, $0xb8;
	[tilespmem:$0x15E20] =	vst v63  }
0xd4: {  	_ =	swait.ge [sflag:s4], $0x4000  }
0xd5: {  	[sflag:s4] =	ssyncset.done $0x0  }
0xd6: {  	[sflag:s4] =	ssyncadd.s32 $0xFFFFC000  }
0xd7: {  	_ =	swait.ge [sflag:s9], $0x4000  }
0xd8: {  	[sflag:s9] =	ssyncset.done $0x0  }
0xd9: {  	s10 =	simm.s32 $0x4C00;
	[sflag:s9] =	ssyncadd.s32 $0xFFFFC000  }
0xda: {  	[spmem:s2] =	stream.indirect.scatter.add.f32 [tilespmem:s8], [sflag:$0x4], $0x20, s10, s6, $0xb8;
	[tilespmem:$0x15E20] =	vst v63  }
0xdb: {  	_ =	swait.ge [sflag:s4], $0x4000  }
0xdc: {  	[sflag:s4] =	ssyncset.done $0x0  }
0xdd: {  	s1 =	simm.s32 @!p0 $0x2;
	[sflag:s4] =	ssyncadd.s32 $0xFFFFC000  }
0xde: {  	_ =	swait.ge @!p0 [sflag:s1], $0x4000  }
0xdf: {  	[sflag:s1] =	ssyncset.done @!p0 $0x0  }
0xe0: {  	[sflag:s1] =	ssyncadd.s32 @!p0 $0xFFFFC000  }
0xe1: {  	[spmem:s2] =	stream.indirect.scatter.add.f32 @!p0 [tilespmem:s31], [sflag:$0x4], $0x20, s28, s30, $0xb8;
	[tilespmem:$0x15E20] =	vst v63  }
0xe2: {  	_ =	swait.ge @!p0 [sflag:s29], $0x4000  }
0xe3: {  	s14 =	simm.s32 $0x10;
	s0 =	sadd.s32 $0xFFFFFFFF, s0;
	[sflag:s29] =	ssyncset.done @!p0 $0x0  }
0xe4: {  	p1 =	por $0x1, $0x1;
	p2 =	sne.s32 s0, $0x0;
	[sflag:s29] =	ssyncadd.s32 @!p0 $0xFFFFC000  }
.Ltmp1:
0xe5: {  	s15 =	simm.s32 $0x2200;
	[bflag:$0x0] =	sbarrier.arrive $0xFFFF;
	(pc) =	sbr.rel @!p2 .LBB2_2-.Ltmp1, $4  }
0xe6: {  	s17 =	simm.s32 $0x4400;
	s21 =	simm.s32 $0x4600;
	s10 =	rddreg [dreg:$0x5]  }
0xe7: {  	[hbm:s10@s14], [sflag:s5] =	dma.strided [spmem:s7@s4], $0x9C4, s9, $0x4   }
0xe8: {  	s20 =	simm.s32 $0x4A00;
	s19 =	simm.s32 $0x4C00;
	_ =	swait.ge [sflag:s4], $0x9C4  }
0xe9: {  	s18 =	simm.s32 $0x10;
	s10 =	rddreg [dreg:$0x6];
	[sflag:s4] =	ssyncset.done $0x0  }
.LBB2_3:
0xea: {  	[sflag:s4] =	ssyncadd.s32 $0xFFFFF63C  }
0xeb: {  	[tilespmem:s22], [sflag:$0x4] =	stream.linear.gather [hbm4b:s10+s22], $0x2600, $0x38;
	[tilespmem:$0x15E20] =	vst v63  }
0xec: {  	s14 =	rddreg [dreg:$0x7]  }
0xed: {  	[tilespmem:s24], [sflag:$0x4] =	stream.linear.gather [hbm4b:s14+s22], $0x2600, $0x38;
	[tilespmem:$0x15E20] =	vst v63  }
0xee: {  	_ =	swait.ge [sflag:s4], $0x4C00  }
0xef: {  	[sflag:s4] =	ssyncset.done $0x0  }
0xf0: {  	[sflag:s4] =	ssyncadd.s32 $0xFFFFB400  }
0xf1: {  	[tilespmem:s25], [sflag:$0x4] =	stream.linear.gather @!p0 [hbm4b:s23+s26], $0x200, $0x38;
	[tilespmem:$0x15E20] =	vst v63  }
0xf2: {  	s10 =	rddreg [dreg:$0x8]  }
0xf3: {  	[tilespmem:s28], [sflag:$0x4] =	stream.linear.gather @!p0 [hbm4b:s10+s26], $0x200, $0x38;
	[tilespmem:$0x15E20] =	vst v63  }
0xf4: {  	_ =	swait.ge @!p0 [sflag:s29], $0x400  }
0xf5: {  	[sflag:s29] =	ssyncset.done @!p0 $0x0  }
0xf6: {  	[sflag:s29] =	ssyncadd.s32 @!p0 $0xFFFFFC00  }
0xf7: {  	[tilespmem:s8], [sflag:$0x1] =	stream.indirect.gather [hbm4b:s3+s6], $0x20, s22, s6, $0xb8;
	[tilespmem:$0x15E20] =	vst v63  }
0xf8: {  	s14 =	rddreg [dreg:$0x4]  }
0xf9: {  	[tilespmem:s11], [sflag:$0x2] =	stream.indirect.gather [hbm4b:s3+s6], $0x20, s6, s6, $0xb8;
	[tilespmem:$0x15E20] =	vst v63  }
0xfa: {  	[spmem:s7], [sflag:s5] =	dma.local [hbm:s14], $0x9C4  }
0xfb: {  	_ =	swait.ge [sflag:s4], $0x9C4  }
0xfc: {  	[sflag:s4] =	ssyncset.done $0x0  }
0xfd: {  	[sflag:s4] =	ssyncadd.s32 $0xFFFFF63C  }
0xfe: {  	[bflag:$0x0] =	sbarrier.arrive $0xFFFF  }
0xff: {  	s14 =	rddreg [dreg:$0x9]  }
0x100: {  	[tilespmem:s12], [sflag:$0x3] =	stream.indirect.gather [hbm4b:s3+s6], $0x20, s14, s6, $0xb8;
	[tilespmem:$0x15E20] =	vst v63  }
0x101: {  	_ =	swait.ge [sflag:s9], $0x4000  }
0x102: {  	[sflag:s9] =	ssyncset.done $0x0  }
0x103: {  	[sflag:s9] =	ssyncadd.s32 $0xFFFFC000  }
0x104: {  	[spmem:s2] =	stream.indirect.scatter.add.f32 [tilespmem:s8], [sflag:$0x4], $0x20, s24, s6, $0xb8;
	[tilespmem:$0x15E20] =	vst v63  }
0x105: {  	_ =	swait.ge [sflag:s4], $0x4000  }
0x106: {  	[sflag:s4] =	ssyncset.done $0x0  }
0x107: {  	s14 =	rddreg [dreg:$0xa];
	[sflag:s4] =	ssyncadd.s32 $0xFFFFC000  }
0x108: {  	[tilespmem:s8], [sflag:$0x1] =	stream.indirect.gather [hbm4b:s3+s6], $0x20, s14, s6, $0xb8;
	[tilespmem:$0x15E20] =	vst v63  }
0x109: {  	_ =	swait.ge [sflag:s16], $0x4000  }
0x10a: {  	[sflag:s16] =	ssyncset.done $0x0  }
0x10b: {  	s14 =	rddreg [dreg:$0xb];
	[sflag:s16] =	ssyncadd.s32 $0xFFFFC000  }
0x10c: {  	[spmem:s2] =	stream.indirect.scatter.add.f32 [tilespmem:s11], [sflag:$0x4], $0x20, s14, s6, $0xb8;
	[tilespmem:$0x15E20] =	vst v63  }
0x10d: {  	_ =	swait.ge [sflag:s4], $0x4000  }
0x10e: {  	[sflag:s4] =	ssyncset.done $0x0  }
0x10f: {  	s14 =	rddreg [dreg:$0xc];
	[sflag:s4] =	ssyncadd.s32 $0xFFFFC000  }
0x110: {  	[tilespmem:s11], [sflag:$0x2] =	stream.indirect.gather [hbm4b:s3+s6], $0x20, s14, s6, $0xb8;
	[tilespmem:$0x15E20] =	vst v63  }
0x111: {  	_ =	swait.ge [sflag:s13], $0x4000  }
0x112: {  	[sflag:s13] =	ssyncset.done $0x0  }
0x113: {  	s14 =	rddreg [dreg:$0xd];
	[sflag:s13] =	ssyncadd.s32 $0xFFFFC000  }
0x114: {  	[spmem:s2] =	stream.indirect.scatter.add.f32 [tilespmem:s12], [sflag:$0x4], $0x20, s14, s6, $0xb8;
	[tilespmem:$0x15E20] =	vst v63  }
0x115: {  	_ =	swait.ge [sflag:s4], $0x4000  }
0x116: {  	[sflag:s4] =	ssyncset.done $0x0  }
0x117: {  	s14 =	rddreg [dreg:$0xe];
	[sflag:s4] =	ssyncadd.s32 $0xFFFFC000  }
0x118: {  	[tilespmem:s12], [sflag:$0x3] =	stream.indirect.gather [hbm4b:s3+s6], $0x20, s14, s6, $0xb8;
	[tilespmem:$0x15E20] =	vst v63  }
0x119: {  	_ =	swait.ge [sflag:s9], $0x4000  }
0x11a: {  	[sflag:s9] =	ssyncset.done $0x0  }
0x11b: {  	s14 =	rddreg [dreg:$0xf];
	[sflag:s9] =	ssyncadd.s32 $0xFFFFC000  }
0x11c: {  	[spmem:s2] =	stream.indirect.scatter.add.f32 [tilespmem:s8], [sflag:$0x4], $0x20, s14, s6, $0xb8;
	[tilespmem:$0x15E20] =	vst v63  }
0x11d: {  	_ =	swait.ge [sflag:s4], $0x4000  }
0x11e: {  	[sflag:s4] =	ssyncset.done $0x0  }
0x11f: {  	s14 =	rddreg [dreg:$0x10];
	[sflag:s4] =	ssyncadd.s32 $0xFFFFC000  }
0x120: {  	[tilespmem:s8], [sflag:$0x1] =	stream.indirect.gather [hbm4b:s3+s6], $0x20, s14, s6, $0xb8;
	[tilespmem:$0x15E20] =	vst v63  }
0x121: {  	_ =	swait.ge [sflag:s16], $0x4000  }
0x122: {  	[sflag:s16] =	ssyncset.done $0x0  }
0x123: {  	s14 =	rddreg [dreg:$0x11];
	[sflag:s16] =	ssyncadd.s32 $0xFFFFC000  }
0x124: {  	[spmem:s2] =	stream.indirect.scatter.add.f32 [tilespmem:s11], [sflag:$0x4], $0x20, s14, s6, $0xb8;
	[tilespmem:$0x15E20] =	vst v63  }
0x125: {  	_ =	swait.ge [sflag:s4], $0x4000  }
0x126: {  	[sflag:s4] =	ssyncset.done $0x0  }
0x127: {  	s14 =	rddreg [dreg:$0x12];
	[sflag:s4] =	ssyncadd.s32 $0xFFFFC000  }
0x128: {  	[tilespmem:s11], [sflag:$0x2] =	stream.indirect.gather [hbm4b:s3+s6], $0x20, s14, s6, $0xb8;
	[tilespmem:$0x15E20] =	vst v63  }
0x129: {  	_ =	swait.ge [sflag:s13], $0x4000  }
0x12a: {  	[sflag:s13] =	ssyncset.done $0x0  }
0x12b: {  	s14 =	rddreg [dreg:$0x13];
	[sflag:s13] =	ssyncadd.s32 $0xFFFFC000  }
0x12c: {  	[spmem:s2] =	stream.indirect.scatter.add.f32 [tilespmem:s12], [sflag:$0x4], $0x20, s14, s6, $0xb8;
	[tilespmem:$0x15E20] =	vst v63  }
0x12d: {  	_ =	swait.ge [sflag:s4], $0x4000  }
0x12e: {  	[sflag:s4] =	ssyncset.done $0x0  }
0x12f: {  	s14 =	rddreg [dreg:$0x14];
	[sflag:s4] =	ssyncadd.s32 $0xFFFFC000  }
0x130: {  	[tilespmem:s12], [sflag:$0x3] =	stream.indirect.gather [hbm4b:s3+s6], $0x20, s14, s6, $0xb8;
	[tilespmem:$0x15E20] =	vst v63  }
0x131: {  	_ =	swait.ge [sflag:s9], $0x4000  }
0x132: {  	[sflag:s9] =	ssyncset.done $0x0  }
0x133: {  	s14 =	rddreg [dreg:$0x15];
	[sflag:s9] =	ssyncadd.s32 $0xFFFFC000  }
0x134: {  	[spmem:s2] =	stream.indirect.scatter.add.f32 [tilespmem:s8], [sflag:$0x4], $0x20, s14, s6, $0xb8;
	[tilespmem:$0x15E20] =	vst v63  }
0x135: {  	_ =	swait.ge [sflag:s4], $0x4000  }
0x136: {  	[sflag:s4] =	ssyncset.done $0x0  }
0x137: {  	s14 =	rddreg [dreg:$0x16];
	[sflag:s4] =	ssyncadd.s32 $0xFFFFC000  }
0x138: {  	[tilespmem:s8], [sflag:$0x1] =	stream.indirect.gather [hbm4b:s3+s6], $0x20, s14, s6, $0xb8;
	[tilespmem:$0x15E20] =	vst v63  }
0x139: {  	_ =	swait.ge [sflag:s16], $0x4000  }
0x13a: {  	[sflag:s16] =	ssyncset.done $0x0  }
0x13b: {  	s14 =	rddreg [dreg:$0x17];
	[sflag:s16] =	ssyncadd.s32 $0xFFFFC000  }
0x13c: {  	[spmem:s2] =	stream.indirect.scatter.add.f32 [tilespmem:s11], [sflag:$0x4], $0x20, s14, s6, $0xb8;
	[tilespmem:$0x15E20] =	vst v63  }
0x13d: {  	_ =	swait.ge [sflag:s4], $0x4000  }
0x13e: {  	[sflag:s4] =	ssyncset.done $0x0  }
0x13f: {  	s14 =	rddreg [dreg:$0x18];
	[sflag:s4] =	ssyncadd.s32 $0xFFFFC000  }
0x140: {  	[tilespmem:s11], [sflag:$0x2] =	stream.indirect.gather [hbm4b:s3+s6], $0x20, s14, s6, $0xb8;
	[tilespmem:$0x15E20] =	vst v63  }
0x141: {  	_ =	swait.ge [sflag:s13], $0x4000  }
0x142: {  	[sflag:s13] =	ssyncset.done $0x0  }
0x143: {  	s14 =	rddreg [dreg:$0x19];
	[sflag:s13] =	ssyncadd.s32 $0xFFFFC000  }
0x144: {  	[spmem:s2] =	stream.indirect.scatter.add.f32 [tilespmem:s12], [sflag:$0x4], $0x20, s14, s6, $0xb8;
	[tilespmem:$0x15E20] =	vst v63  }
0x145: {  	_ =	swait.ge [sflag:s4], $0x4000  }
0x146: {  	[sflag:s4] =	ssyncset.done $0x0  }
0x147: {  	s14 =	rddreg [dreg:$0x1a];
	[sflag:s4] =	ssyncadd.s32 $0xFFFFC000  }
0x148: {  	[tilespmem:s12], [sflag:$0x3] =	stream.indirect.gather [hbm4b:s3+s6], $0x20, s14, s6, $0xb8;
	[tilespmem:$0x15E20] =	vst v63  }
0x149: {  	_ =	swait.ge [sflag:s9], $0x4000  }
0x14a: {  	[sflag:s9] =	ssyncset.done $0x0  }
0x14b: {  	s14 =	rddreg [dreg:$0x1b];
	[sflag:s9] =	ssyncadd.s32 $0xFFFFC000  }
0x14c: {  	[spmem:s2] =	stream.indirect.scatter.add.f32 [tilespmem:s8], [sflag:$0x4], $0x20, s14, s6, $0xb8;
	[tilespmem:$0x15E20] =	vst v63  }
0x14d: {  	_ =	swait.ge [sflag:s4], $0x4000  }
0x14e: {  	[sflag:s4] =	ssyncset.done $0x0  }
0x14f: {  	s14 =	rddreg [dreg:$0x1c];
	[sflag:s4] =	ssyncadd.s32 $0xFFFFC000  }
0x150: {  	[tilespmem:s8], [sflag:$0x1] =	stream.indirect.gather [hbm4b:s3+s6], $0x20, s14, s6, $0xb8;
	[tilespmem:$0x15E20] =	vst v63  }
0x151: {  	_ =	swait.ge [sflag:s16], $0x4000  }
0x152: {  	[sflag:s16] =	ssyncset.done $0x0  }
0x153: {  	s14 =	rddreg [dreg:$0x1d];
	[sflag:s16] =	ssyncadd.s32 $0xFFFFC000  }
0x154: {  	[spmem:s2] =	stream.indirect.scatter.add.f32 [tilespmem:s11], [sflag:$0x4], $0x20, s14, s6, $0xb8;
	[tilespmem:$0x15E20] =	vst v63  }
0x155: {  	_ =	swait.ge [sflag:s4], $0x4000  }
0x156: {  	[sflag:s4] =	ssyncset.done $0x0  }
0x157: {  	s14 =	rddreg [dreg:$0x1e];
	[sflag:s4] =	ssyncadd.s32 $0xFFFFC000  }
0x158: {  	[tilespmem:s11], [sflag:$0x2] =	stream.indirect.gather [hbm4b:s3+s6], $0x20, s14, s6, $0xb8;
	[tilespmem:$0x15E20] =	vst v63  }
0x159: {  	_ =	swait.ge [sflag:s13], $0x4000  }
0x15a: {  	[sflag:s13] =	ssyncset.done $0x0  }
0x15b: {  	s14 =	rddreg [dreg:$0x1f];
	[sflag:s13] =	ssyncadd.s32 $0xFFFFC000  }
0x15c: {  	[spmem:s2] =	stream.indirect.scatter.add.f32 [tilespmem:s12], [sflag:$0x4], $0x20, s14, s6, $0xb8;
	[tilespmem:$0x15E20] =	vst v63  }
0x15d: {  	_ =	swait.ge [sflag:s4], $0x4000  }
0x15e: {  	s14 =	sld [smem:$0x7F9]  }
0x15f: {  	[sflag:s4] =	ssyncset.done $0x0  }
0x160: {  	[sflag:s4] =	ssyncadd.s32 $0xFFFFC000  }
0x161: {  	[tilespmem:s12], [sflag:$0x3] =	stream.indirect.gather [hbm4b:s3+s6], $0x20, s14, s6, $0xb8;
	[tilespmem:$0x15E20] =	vst v63  }
0x162: {  	_ =	swait.ge [sflag:s9], $0x4000  }
0x163: {  	s14 =	sld [smem:$0x7FA]  }
0x164: {  	[sflag:s9] =	ssyncset.done $0x0  }
0x165: {  	[sflag:s9] =	ssyncadd.s32 $0xFFFFC000  }
0x166: {  	[spmem:s2] =	stream.indirect.scatter.add.f32 [tilespmem:s8], [sflag:$0x4], $0x20, s14, s6, $0xb8;
	[tilespmem:$0x15E20] =	vst v63  }
0x167: {  	_ =	swait.ge [sflag:s4], $0x4000  }
0x168: {  	s14 =	sld [smem:$0x7FB]  }
0x169: {  	[sflag:s4] =	ssyncset.done $0x0  }
0x16a: {  	[sflag:s4] =	ssyncadd.s32 $0xFFFFC000  }
0x16b: {  	[tilespmem:s8], [sflag:$0x1] =	stream.indirect.gather [hbm4b:s3+s6], $0x20, s14, s6, $0xb8;
	[tilespmem:$0x15E20] =	vst v63  }
0x16c: {  	_ =	swait.ge [sflag:s16], $0x4000  }
0x16d: {  	s14 =	sld [smem:$0x7FC]  }
0x16e: {  	[sflag:s16] =	ssyncset.done $0x0  }
0x16f: {  	[sflag:s16] =	ssyncadd.s32 $0xFFFFC000  }
0x170: {  	[spmem:s2] =	stream.indirect.scatter.add.f32 [tilespmem:s11], [sflag:$0x4], $0x20, s14, s6, $0xb8;
	[tilespmem:$0x15E20] =	vst v63  }
0x171: {  	_ =	swait.ge [sflag:s4], $0x4000  }
0x172: {  	s14 =	sld [smem:$0x7FD]  }
0x173: {  	[sflag:s4] =	ssyncset.done $0x0  }
0x174: {  	[sflag:s4] =	ssyncadd.s32 $0xFFFFC000  }
0x175: {  	[tilespmem:s11], [sflag:$0x2] =	stream.indirect.gather [hbm4b:s3+s6], $0x20, s14, s6, $0xb8;
	[tilespmem:$0x15E20] =	vst v63  }
0x176: {  	_ =	swait.ge [sflag:s13], $0x4000  }
0x177: {  	[sflag:s13] =	ssyncset.done $0x0  }
0x178: {  	[sflag:s13] =	ssyncadd.s32 $0xFFFFC000  }
0x179: {  	[spmem:s2] =	stream.indirect.scatter.add.f32 [tilespmem:s12], [sflag:$0x4], $0x20, s17, s6, $0xb8;
	[tilespmem:$0x15E20] =	vst v63  }
0x17a: {  	_ =	swait.ge [sflag:s4], $0x4000  }
0x17b: {  	[sflag:s4] =	ssyncset.done $0x0  }
0x17c: {  	[sflag:s4] =	ssyncadd.s32 $0xFFFFC000  }
0x17d: {  	[tilespmem:s12], [sflag:$0x3] =	stream.indirect.gather [hbm4b:s3+s6], $0x20, s15, s6, $0xb8;
	[tilespmem:$0x15E20] =	vst v63  }
0x17e: {  	_ =	swait.ge [sflag:s9], $0x4000  }
0x17f: {  	[sflag:s9] =	ssyncset.done $0x0  }
0x180: {  	[sflag:s9] =	ssyncadd.s32 $0xFFFFC000  }
0x181: {  	[spmem:s2] =	stream.indirect.scatter.add.f32 [tilespmem:s8], [sflag:$0x4], $0x20, s21, s6, $0xb8;
	[tilespmem:$0x15E20] =	vst v63  }
0x182: {  	_ =	swait.ge [sflag:s4], $0x4000  }
0x183: {  	[sflag:s4] =	ssyncset.done $0x0  }
0x184: {  	s14 =	simm.s32 $0x2400;
	[sflag:s4] =	ssyncadd.s32 $0xFFFFC000  }
0x185: {  	[tilespmem:s8], [sflag:$0x1] =	stream.indirect.gather [hbm4b:s3+s6], $0x20, s14, s6, $0xb8;
	[tilespmem:$0x15E20] =	vst v63  }
0x186: {  	_ =	swait.ge [sflag:s16], $0x4000  }
0x187: {  	[sflag:s16] =	ssyncset.done $0x0  }
0x188: {  	s14 =	simm.s32 $0x4800;
	[sflag:s16] =	ssyncadd.s32 $0xFFFFC000  }
0x189: {  	[spmem:s2] =	stream.indirect.scatter.add.f32 [tilespmem:s11], [sflag:$0x4], $0x20, s14, s6, $0xb8;
	[tilespmem:$0x15E20] =	vst v63  }
0x18a: {  	_ =	swait.ge [sflag:s4], $0x4000  }
0x18b: {  	[sflag:s4] =	ssyncset.done $0x0  }
0x18c: {  	[sflag:s4] =	ssyncadd.s32 $0xFFFFC000  }
0x18d: {  	[tilespmem:s31], [sflag:$0x2] =	stream.indirect.gather @!p0 [hbm4b:s3+s30], $0x20, s25, s30, $0xb8;
	[tilespmem:$0x15E20] =	vst v63  }
0x18e: {  	_ =	swait.ge [sflag:s13], $0x4000  }
0x18f: {  	[sflag:s13] =	ssyncset.done $0x0  }
0x190: {  	[sflag:s13] =	ssyncadd.s32 $0xFFFFC000  }
0x191: {  	[spmem:s2] =	stream.indirect.scatter.add.f32 [tilespmem:s12], [sflag:$0x4], $0x20, s20, s6, $0xb8;
	[tilespmem:$0x15E20] =	vst v63  }
0x192: {  	_ =	swait.ge [sflag:s4], $0x4000  }
0x193: {  	[sflag:s4] =	ssyncset.done $0x0  }
0x194: {  	[sflag:s4] =	ssyncadd.s32 $0xFFFFC000  }
0x195: {  	_ =	swait.ge [sflag:s9], $0x4000  }
0x196: {  	[sflag:s9] =	ssyncset.done $0x0  }
0x197: {  	[sflag:s9] =	ssyncadd.s32 $0xFFFFC000  }
0x198: {  	[spmem:s2] =	stream.indirect.scatter.add.f32 [tilespmem:s8], [sflag:$0x4], $0x20, s19, s6, $0xb8;
	[tilespmem:$0x15E20] =	vst v63  }
0x199: {  	_ =	swait.ge [sflag:s4], $0x4000  }
0x19a: {  	[sflag:s4] =	ssyncset.done $0x0  }
0x19b: {  	[sflag:s4] =	ssyncadd.s32 $0xFFFFC000  }
0x19c: {  	_ =	swait.ge @!p0 [sflag:s1], $0x4000  }
0x19d: {  	[sflag:s1] =	ssyncset.done @!p0 $0x0  }
0x19e: {  	[sflag:s1] =	ssyncadd.s32 @!p0 $0xFFFFC000  }
0x19f: {  	[spmem:s2] =	stream.indirect.scatter.add.f32 @!p0 [tilespmem:s31], [sflag:$0x4], $0x20, s28, s30, $0xb8;
	[tilespmem:$0x15E20] =	vst v63  }
0x1a0: {  	_ =	swait.ge @!p0 [sflag:s29], $0x4000  }
0x1a1: {  	s0 =	sadd.s32 $0xFFFFFFFF, s0;
	[sflag:s29] =	ssyncset.done @!p0 $0x0  }
0x1a2: {  	p2 =	sne.s32 s0, $0x0;
	[sflag:s29] =	ssyncadd.s32 @!p0 $0xFFFFC000  }
.Ltmp2:
0x1a3: {  	[bflag:$0x0] =	sbarrier.arrive $0xFFFF;
	(pc) =	sbr.rel @p2 .LBB2_3-.Ltmp2, $4  }
0x1a4: {  	s14 =	rddreg [dreg:$0x5]  }
0x1a5: {  	[hbm:s14@s18], [sflag:s5] =	dma.strided [spmem:s7@s4], $0x9C4, s9, $0x4   }
0x1a6: {  	_ =	swait.ge [sflag:s4], $0x9C4  }
0x1a7: {  	s10 =	rddreg [dreg:$0x6];
	[sflag:s4] =	ssyncset.done $0x0  }
0x1a8: {  	s14 =	stileid.u32  }
0x1a9: {  	s26 =	rddreg [dreg:$0x3];
	s15 =	simm.s32 $0x10;
	s17 =	simm.s32 $0x4C00  }
0x1aa: {  	s18 =	simm.s32 $0x4A00;
	s19 =	simm.s32 $0x4800;
	s20 =	simm.s32 $0x2400  }
0x1ab: {  	s21 =	simm.s32 $0x4600;
	s30 =	simm.s32 $0x2200;
	s31 =	simm.s32 $0x4400  }
.LBB2_5:
0x1ac: {  	[sflag:s4] =	ssyncadd.s32 @p1 $0xFFFFF63C  }
0x1ad: {  	[tilespmem:s22], [sflag:$0x4] =	stream.linear.gather [hbm4b:s10+s22], $0x2600, $0x38;
	[tilespmem:$0x15E20] =	vst v63  }
0x1ae: {  	s0 =	rddreg [dreg:$0x7]  }
0x1af: {  	[tilespmem:s24], [sflag:$0x4] =	stream.linear.gather [hbm4b:s0+s22], $0x2600, $0x38;
	[tilespmem:$0x15E20] =	vst v63  }
0x1b0: {  	_ =	swait.ge [sflag:s4], $0x4C00  }
0x1b1: {  	[sflag:s4] =	ssyncset.done $0x0  }
0x1b2: {  	s25 =	simm.s32 @!p0 $0x2600;
	s0 =	simm.s32 @!p0 $0x0;
	[sflag:s4] =	ssyncadd.s32 $0xFFFFB400  }
0x1b3: {  	[tilespmem:s25], [sflag:$0x4] =	stream.linear.gather @!p0 [hbm4b:s23+s0], $0x200, $0x38;
	[tilespmem:$0x15E20] =	vst v63  }
0x1b4: {  	s1 =	simm.s32 @!p0 $0x4E00;
	s10 =	rddreg [dreg:$0x8]  }
0x1b5: {  	[tilespmem:s1], [sflag:$0x4] =	stream.linear.gather @!p0 [hbm4b:s10+s0], $0x200, $0x38;
	[tilespmem:$0x15E20] =	vst v63  }
0x1b6: {  	s0 =	simm.s32 @!p0 $0x4  }
0x1b7: {  	_ =	swait.ge @!p0 [sflag:s0], $0x400  }
0x1b8: {  	[sflag:s0] =	ssyncset.done @!p0 $0x0  }
0x1b9: {  	[sflag:s0] =	ssyncadd.s32 @!p0 $0xFFFFFC00  }
0x1ba: {  	[tilespmem:s8], [sflag:$0x1] =	stream.indirect.gather [hbm4b:s3+s6], $0x20, s22, s6, $0xb8;
	[tilespmem:$0x15E20] =	vst v63  }
0x1bb: {  	s22 =	rddreg [dreg:$0x4]  }
0x1bc: {  	[tilespmem:s11], [sflag:$0x2] =	stream.indirect.gather [hbm4b:s3+s6], $0x20, s6, s6, $0xb8;
	[tilespmem:$0x15E20] =	vst v63  }
0x1bd: {  	[spmem:s7], [sflag:s5] =	dma.local [hbm:s22], $0x9C4  }
0x1be: {  	_ =	swait.ge [sflag:s4], $0x9C4  }
0x1bf: {  	[sflag:s4] =	ssyncset.done $0x0  }
0x1c0: {  	[sflag:s4] =	ssyncadd.s32 $0xFFFFF63C  }
0x1c1: {  	[bflag:$0x0] =	sbarrier.arrive $0xFFFF  }
0x1c2: {  	s23 =	rddreg [dreg:$0x9]  }
0x1c3: {  	[tilespmem:s12], [sflag:$0x3] =	stream.indirect.gather [hbm4b:s3+s6], $0x20, s23, s6, $0xb8;
	[tilespmem:$0x15E20] =	vst v63  }
0x1c4: {  	_ =	swait.ge [sflag:s9], $0x4000  }
0x1c5: {  	[sflag:s9] =	ssyncset.done $0x0  }
0x1c6: {  	[sflag:s9] =	ssyncadd.s32 $0xFFFFC000  }
0x1c7: {  	[spmem:s2] =	stream.indirect.scatter.add.f32 [tilespmem:s8], [sflag:$0x4], $0x20, s24, s6, $0xb8;
	[tilespmem:$0x15E20] =	vst v63  }
0x1c8: {  	_ =	swait.ge [sflag:s4], $0x4000  }
0x1c9: {  	[sflag:s4] =	ssyncset.done $0x0  }
0x1ca: {  	s28 =	rddreg [dreg:$0xa];
	[sflag:s4] =	ssyncadd.s32 $0xFFFFC000  }
0x1cb: {  	[tilespmem:s8], [sflag:$0x1] =	stream.indirect.gather [hbm4b:s3+s6], $0x20, s28, s6, $0xb8;
	[tilespmem:$0x15E20] =	vst v63  }
0x1cc: {  	_ =	swait.ge [sflag:s16], $0x4000  }
0x1cd: {  	[sflag:s16] =	ssyncset.done $0x0  }
0x1ce: {  	s29 =	rddreg [dreg:$0xb];
	[sflag:s16] =	ssyncadd.s32 $0xFFFFC000  }
0x1cf: {  	[spmem:s2] =	stream.indirect.scatter.add.f32 [tilespmem:s11], [sflag:$0x4], $0x20, s29, s6, $0xb8;
	[tilespmem:$0x15E20] =	vst v63  }
0x1d0: {  	_ =	swait.ge [sflag:s4], $0x4000  }
0x1d1: {  	[sflag:s4] =	ssyncset.done $0x0  }
0x1d2: {  	s22 =	rddreg [dreg:$0xc];
	[sflag:s4] =	ssyncadd.s32 $0xFFFFC000  }
0x1d3: {  	[tilespmem:s11], [sflag:$0x2] =	stream.indirect.gather [hbm4b:s3+s6], $0x20, s22, s6, $0xb8;
	[tilespmem:$0x15E20] =	vst v63  }
0x1d4: {  	_ =	swait.ge [sflag:s13], $0x4000  }
0x1d5: {  	[sflag:s13] =	ssyncset.done $0x0  }
0x1d6: {  	s23 =	rddreg [dreg:$0xd];
	[sflag:s13] =	ssyncadd.s32 $0xFFFFC000  }
0x1d7: {  	[spmem:s2] =	stream.indirect.scatter.add.f32 [tilespmem:s12], [sflag:$0x4], $0x20, s23, s6, $0xb8;
	[tilespmem:$0x15E20] =	vst v63  }
0x1d8: {  	_ =	swait.ge [sflag:s4], $0x4000  }
0x1d9: {  	[sflag:s4] =	ssyncset.done $0x0  }
0x1da: {  	s24 =	rddreg [dreg:$0xe];
	[sflag:s4] =	ssyncadd.s32 $0xFFFFC000  }
0x1db: {  	[tilespmem:s12], [sflag:$0x3] =	stream.indirect.gather [hbm4b:s3+s6], $0x20, s24, s6, $0xb8;
	[tilespmem:$0x15E20] =	vst v63  }
0x1dc: {  	_ =	swait.ge [sflag:s9], $0x4000  }
0x1dd: {  	[sflag:s9] =	ssyncset.done $0x0  }
0x1de: {  	s28 =	rddreg [dreg:$0xf];
	[sflag:s9] =	ssyncadd.s32 $0xFFFFC000  }
0x1df: {  	[spmem:s2] =	stream.indirect.scatter.add.f32 [tilespmem:s8], [sflag:$0x4], $0x20, s28, s6, $0xb8;
	[tilespmem:$0x15E20] =	vst v63  }
0x1e0: {  	_ =	swait.ge [sflag:s4], $0x4000  }
0x1e1: {  	[sflag:s4] =	ssyncset.done $0x0  }
0x1e2: {  	s29 =	rddreg [dreg:$0x10];
	[sflag:s4] =	ssyncadd.s32 $0xFFFFC000  }
0x1e3: {  	[tilespmem:s8], [sflag:$0x1] =	stream.indirect.gather [hbm4b:s3+s6], $0x20, s29, s6, $0xb8;
	[tilespmem:$0x15E20] =	vst v63  }
0x1e4: {  	_ =	swait.ge [sflag:s16], $0x4000  }
0x1e5: {  	[sflag:s16] =	ssyncset.done $0x0  }
0x1e6: {  	s22 =	rddreg [dreg:$0x11];
	[sflag:s16] =	ssyncadd.s32 $0xFFFFC000  }
0x1e7: {  	[spmem:s2] =	stream.indirect.scatter.add.f32 [tilespmem:s11], [sflag:$0x4], $0x20, s22, s6, $0xb8;
	[tilespmem:$0x15E20] =	vst v63  }
0x1e8: {  	_ =	swait.ge [sflag:s4], $0x4000  }
0x1e9: {  	[sflag:s4] =	ssyncset.done $0x0  }
0x1ea: {  	s23 =	rddreg [dreg:$0x12];
	[sflag:s4] =	ssyncadd.s32 $0xFFFFC000  }
0x1eb: {  	[tilespmem:s11], [sflag:$0x2] =	stream.indirect.gather [hbm4b:s3+s6], $0x20, s23, s6, $0xb8;
	[tilespmem:$0x15E20] =	vst v63  }
0x1ec: {  	_ =	swait.ge [sflag:s13], $0x4000  }
0x1ed: {  	[sflag:s13] =	ssyncset.done $0x0  }
0x1ee: {  	s24 =	rddreg [dreg:$0x13];
	[sflag:s13] =	ssyncadd.s32 $0xFFFFC000  }
0x1ef: {  	[spmem:s2] =	stream.indirect.scatter.add.f32 [tilespmem:s12], [sflag:$0x4], $0x20, s24, s6, $0xb8;
	[tilespmem:$0x15E20] =	vst v63  }
0x1f0: {  	_ =	swait.ge [sflag:s4], $0x4000  }
0x1f1: {  	[sflag:s4] =	ssyncset.done $0x0  }
0x1f2: {  	s28 =	rddreg [dreg:$0x14];
	[sflag:s4] =	ssyncadd.s32 $0xFFFFC000  }
0x1f3: {  	[tilespmem:s12], [sflag:$0x3] =	stream.indirect.gather [hbm4b:s3+s6], $0x20, s28, s6, $0xb8;
	[tilespmem:$0x15E20] =	vst v63  }
0x1f4: {  	_ =	swait.ge [sflag:s9], $0x4000  }
0x1f5: {  	[sflag:s9] =	ssyncset.done $0x0  }
0x1f6: {  	s29 =	rddreg [dreg:$0x15];
	[sflag:s9] =	ssyncadd.s32 $0xFFFFC000  }
0x1f7: {  	[spmem:s2] =	stream.indirect.scatter.add.f32 [tilespmem:s8], [sflag:$0x4], $0x20, s29, s6, $0xb8;
	[tilespmem:$0x15E20] =	vst v63  }
0x1f8: {  	_ =	swait.ge [sflag:s4], $0x4000  }
0x1f9: {  	[sflag:s4] =	ssyncset.done $0x0  }
0x1fa: {  	s22 =	rddreg [dreg:$0x16];
	[sflag:s4] =	ssyncadd.s32 $0xFFFFC000  }
0x1fb: {  	[tilespmem:s8], [sflag:$0x1] =	stream.indirect.gather [hbm4b:s3+s6], $0x20, s22, s6, $0xb8;
	[tilespmem:$0x15E20] =	vst v63  }
0x1fc: {  	_ =	swait.ge [sflag:s16], $0x4000  }
0x1fd: {  	[sflag:s16] =	ssyncset.done $0x0  }
0x1fe: {  	s23 =	rddreg [dreg:$0x17];
	[sflag:s16] =	ssyncadd.s32 $0xFFFFC000  }
0x1ff: {  	[spmem:s2] =	stream.indirect.scatter.add.f32 [tilespmem:s11], [sflag:$0x4], $0x20, s23, s6, $0xb8;
	[tilespmem:$0x15E20] =	vst v63  }
0x200: {  	_ =	swait.ge [sflag:s4], $0x4000  }
0x201: {  	[sflag:s4] =	ssyncset.done $0x0  }
0x202: {  	s24 =	rddreg [dreg:$0x18];
	[sflag:s4] =	ssyncadd.s32 $0xFFFFC000  }
0x203: {  	[tilespmem:s11], [sflag:$0x2] =	stream.indirect.gather [hbm4b:s3+s6], $0x20, s24, s6, $0xb8;
	[tilespmem:$0x15E20] =	vst v63  }
0x204: {  	_ =	swait.ge [sflag:s13], $0x4000  }
0x205: {  	[sflag:s13] =	ssyncset.done $0x0  }
0x206: {  	s28 =	rddreg [dreg:$0x19];
	[sflag:s13] =	ssyncadd.s32 $0xFFFFC000  }
0x207: {  	[spmem:s2] =	stream.indirect.scatter.add.f32 [tilespmem:s12], [sflag:$0x4], $0x20, s28, s6, $0xb8;
	[tilespmem:$0x15E20] =	vst v63  }
0x208: {  	_ =	swait.ge [sflag:s4], $0x4000  }
0x209: {  	[sflag:s4] =	ssyncset.done $0x0  }
0x20a: {  	s29 =	rddreg [dreg:$0x1a];
	[sflag:s4] =	ssyncadd.s32 $0xFFFFC000  }
0x20b: {  	[tilespmem:s12], [sflag:$0x3] =	stream.indirect.gather [hbm4b:s3+s6], $0x20, s29, s6, $0xb8;
	[tilespmem:$0x15E20] =	vst v63  }
0x20c: {  	_ =	swait.ge [sflag:s9], $0x4000  }
0x20d: {  	[sflag:s9] =	ssyncset.done $0x0  }
0x20e: {  	s22 =	rddreg [dreg:$0x1b];
	[sflag:s9] =	ssyncadd.s32 $0xFFFFC000  }
0x20f: {  	[spmem:s2] =	stream.indirect.scatter.add.f32 [tilespmem:s8], [sflag:$0x4], $0x20, s22, s6, $0xb8;
	[tilespmem:$0x15E20] =	vst v63  }
0x210: {  	_ =	swait.ge [sflag:s4], $0x4000  }
0x211: {  	[sflag:s4] =	ssyncset.done $0x0  }
0x212: {  	s23 =	rddreg [dreg:$0x1c];
	[sflag:s4] =	ssyncadd.s32 $0xFFFFC000  }
0x213: {  	[tilespmem:s8], [sflag:$0x1] =	stream.indirect.gather [hbm4b:s3+s6], $0x20, s23, s6, $0xb8;
	[tilespmem:$0x15E20] =	vst v63  }
0x214: {  	_ =	swait.ge [sflag:s16], $0x4000  }
0x215: {  	[sflag:s16] =	ssyncset.done $0x0  }
0x216: {  	s24 =	rddreg [dreg:$0x1d];
	[sflag:s16] =	ssyncadd.s32 $0xFFFFC000  }
0x217: {  	[spmem:s2] =	stream.indirect.scatter.add.f32 [tilespmem:s11], [sflag:$0x4], $0x20, s24, s6, $0xb8;
	[tilespmem:$0x15E20] =	vst v63  }
0x218: {  	_ =	swait.ge [sflag:s4], $0x4000  }
0x219: {  	[sflag:s4] =	ssyncset.done $0x0  }
0x21a: {  	s28 =	rddreg [dreg:$0x1e];
	[sflag:s4] =	ssyncadd.s32 $0xFFFFC000  }
0x21b: {  	[tilespmem:s11], [sflag:$0x2] =	stream.indirect.gather [hbm4b:s3+s6], $0x20, s28, s6, $0xb8;
	[tilespmem:$0x15E20] =	vst v63  }
0x21c: {  	_ =	swait.ge [sflag:s13], $0x4000  }
0x21d: {  	[sflag:s13] =	ssyncset.done $0x0  }
0x21e: {  	s29 =	rddreg [dreg:$0x1f];
	[sflag:s13] =	ssyncadd.s32 $0xFFFFC000  }
0x21f: {  	[spmem:s2] =	stream.indirect.scatter.add.f32 [tilespmem:s12], [sflag:$0x4], $0x20, s29, s6, $0xb8;
	[tilespmem:$0x15E20] =	vst v63  }
0x220: {  	_ =	swait.ge [sflag:s4], $0x4000  }
0x221: {  	s22 =	sld [smem:$0x7F9]  }
0x222: {  	[sflag:s4] =	ssyncset.done $0x0  }
0x223: {  	[sflag:s4] =	ssyncadd.s32 $0xFFFFC000  }
0x224: {  	[tilespmem:s12], [sflag:$0x3] =	stream.indirect.gather [hbm4b:s3+s6], $0x20, s22, s6, $0xb8;
	[tilespmem:$0x15E20] =	vst v63  }
0x225: {  	_ =	swait.ge [sflag:s9], $0x4000  }
0x226: {  	s23 =	sld [smem:$0x7FA]  }
0x227: {  	[sflag:s9] =	ssyncset.done $0x0  }
0x228: {  	[sflag:s9] =	ssyncadd.s32 $0xFFFFC000  }
0x229: {  	[spmem:s2] =	stream.indirect.scatter.add.f32 [tilespmem:s8], [sflag:$0x4], $0x20, s23, s6, $0xb8;
	[tilespmem:$0x15E20] =	vst v63  }
0x22a: {  	_ =	swait.ge [sflag:s4], $0x4000  }
0x22b: {  	s24 =	sld [smem:$0x7FB]  }
0x22c: {  	[sflag:s4] =	ssyncset.done $0x0  }
0x22d: {  	[sflag:s4] =	ssyncadd.s32 $0xFFFFC000  }
0x22e: {  	[tilespmem:s8], [sflag:$0x1] =	stream.indirect.gather [hbm4b:s3+s6], $0x20, s24, s6, $0xb8;
	[tilespmem:$0x15E20] =	vst v63  }
0x22f: {  	_ =	swait.ge [sflag:s16], $0x4000  }
0x230: {  	s28 =	sld [smem:$0x7FC]  }
0x231: {  	[sflag:s16] =	ssyncset.done $0x0  }
0x232: {  	[sflag:s16] =	ssyncadd.s32 $0xFFFFC000  }
0x233: {  	[spmem:s2] =	stream.indirect.scatter.add.f32 [tilespmem:s11], [sflag:$0x4], $0x20, s28, s6, $0xb8;
	[tilespmem:$0x15E20] =	vst v63  }
0x234: {  	_ =	swait.ge [sflag:s4], $0x4000  }
0x235: {  	s29 =	sld [smem:$0x7FD]  }
0x236: {  	[sflag:s4] =	ssyncset.done $0x0  }
0x237: {  	[sflag:s4] =	ssyncadd.s32 $0xFFFFC000  }
0x238: {  	[tilespmem:s11], [sflag:$0x2] =	stream.indirect.gather [hbm4b:s3+s6], $0x20, s29, s6, $0xb8;
	[tilespmem:$0x15E20] =	vst v63  }
0x239: {  	_ =	swait.ge [sflag:s13], $0x4000  }
0x23a: {  	[sflag:s13] =	ssyncset.done $0x0  }
0x23b: {  	[sflag:s13] =	ssyncadd.s32 $0xFFFFC000  }
0x23c: {  	[spmem:s2] =	stream.indirect.scatter.add.f32 [tilespmem:s12], [sflag:$0x4], $0x20, s31, s6, $0xb8;
	[tilespmem:$0x15E20] =	vst v63  }
0x23d: {  	_ =	swait.ge [sflag:s4], $0x4000  }
0x23e: {  	[sflag:s4] =	ssyncset.done $0x0  }
0x23f: {  	[sflag:s4] =	ssyncadd.s32 $0xFFFFC000  }
0x240: {  	[tilespmem:s12], [sflag:$0x3] =	stream.indirect.gather [hbm4b:s3+s6], $0x20, s30, s6, $0xb8;
	[tilespmem:$0x15E20] =	vst v63  }
0x241: {  	_ =	swait.ge [sflag:s9], $0x4000  }
0x242: {  	[sflag:s9] =	ssyncset.done $0x0  }
0x243: {  	[sflag:s9] =	ssyncadd.s32 $0xFFFFC000  }
0x244: {  	[spmem:s2] =	stream.indirect.scatter.add.f32 [tilespmem:s8], [sflag:$0x4], $0x20, s21, s6, $0xb8;
	[tilespmem:$0x15E20] =	vst v63  }
0x245: {  	_ =	swait.ge [sflag:s4], $0x4000  }
0x246: {  	[sflag:s4] =	ssyncset.done $0x0  }
0x247: {  	[sflag:s4] =	ssyncadd.s32 $0xFFFFC000  }
0x248: {  	[tilespmem:s8], [sflag:$0x1] =	stream.indirect.gather [hbm4b:s3+s6], $0x20, s20, s6, $0xb8;
	[tilespmem:$0x15E20] =	vst v63  }
0x249: {  	_ =	swait.ge [sflag:s16], $0x4000  }
0x24a: {  	[sflag:s16] =	ssyncset.done $0x0  }
0x24b: {  	[sflag:s16] =	ssyncadd.s32 $0xFFFFC000  }
0x24c: {  	[spmem:s2] =	stream.indirect.scatter.add.f32 [tilespmem:s11], [sflag:$0x4], $0x20, s19, s6, $0xb8;
	[tilespmem:$0x15E20] =	vst v63  }
0x24d: {  	_ =	swait.ge [sflag:s4], $0x4000  }
0x24e: {  	[sflag:s4] =	ssyncset.done $0x0  }
0x24f: {  	s10 =	simm.s32 @!p0 $0x200;
	s11 =	simm.s32 @!p0 $0x9000;
	[sflag:s4] =	ssyncadd.s32 $0xFFFFC000  }
0x250: {  	[tilespmem:s11], [sflag:$0x2] =	stream.indirect.gather @!p0 [hbm4b:s3+s10], $0x20, s25, s10, $0xb8;
	[tilespmem:$0x15E20] =	vst v63  }
0x251: {  	_ =	swait.ge [sflag:s13], $0x4000  }
0x252: {  	[sflag:s13] =	ssyncset.done $0x0  }
0x253: {  	[sflag:s13] =	ssyncadd.s32 $0xFFFFC000  }
0x254: {  	[spmem:s2] =	stream.indirect.scatter.add.f32 [tilespmem:s12], [sflag:$0x4], $0x20, s18, s6, $0xb8;
	[tilespmem:$0x15E20] =	vst v63  }
0x255: {  	_ =	swait.ge [sflag:s4], $0x4000  }
0x256: {  	[sflag:s4] =	ssyncset.done $0x0  }
0x257: {  	[sflag:s4] =	ssyncadd.s32 $0xFFFFC000  }
0x258: {  	_ =	swait.ge [sflag:s9], $0x4000  }
0x259: {  	[sflag:s9] =	ssyncset.done $0x0  }
0x25a: {  	[sflag:s9] =	ssyncadd.s32 $0xFFFFC000  }
0x25b: {  	[spmem:s2] =	stream.indirect.scatter.add.f32 [tilespmem:s8], [sflag:$0x4], $0x20, s17, s6, $0xb8;
	[tilespmem:$0x15E20] =	vst v63  }
0x25c: {  	_ =	swait.ge [sflag:s4], $0x4000  }
0x25d: {  	[sflag:s4] =	ssyncset.done $0x0  }
0x25e: {  	s3 =	simm.s32 @!p0 $0x2;
	[sflag:s4] =	ssyncadd.s32 $0xFFFFC000  }
0x25f: {  	_ =	swait.ge @!p0 [sflag:s3], $0x4000  }
0x260: {  	[sflag:s3] =	ssyncset.done @!p0 $0x0  }
0x261: {  	[sflag:s3] =	ssyncadd.s32 @!p0 $0xFFFFC000  }
0x262: {  	[spmem:s2] =	stream.indirect.scatter.add.f32 @!p0 [tilespmem:s11], [sflag:$0x4], $0x20, s1, s10, $0xb8;
	[tilespmem:$0x15E20] =	vst v63  }
0x263: {  	_ =	swait.ge @!p0 [sflag:s0], $0x4000  }
0x264: {  	[sflag:s0] =	ssyncset.done @!p0 $0x0  }
0x265: {  	[sflag:s0] =	ssyncadd.s32 @!p0 $0xFFFFC000  }
0x266: {  	[bflag:$0x0] =	sbarrier.arrive $0xFFFF  }
0x267: {  	s31 =	rddreg [dreg:$0x5]  }
0x268: {  	[hbm:s31@s15], [sflag:s5] =	dma.strided [spmem:s7@s4], $0x9C4, s9, $0x4   }
0x269: {  	_ =	swait.ge [sflag:s4], $0x9C4  }
0x26a: {  	[sflag:s4] =	ssyncset.done $0x0  }
0x26b: {  	[sflag:s4] =	ssyncadd.s32 $0xFFFFF63C  }
0x26c: {  	_ =	sfence.sel $0x180000  }
0x26d: {  	[bflag:$0x0] =	sbarrier.arrive $0xFFFF  }
0x26e: {  	p0 =	sne.s32 s14, $0x0;
	_ =	strace $0x9000004A  }
0x26f: {  	s0 =	sadd.s32 @!p0 $0x100000, s26;
	[bflag:$0x2] =	sbarrier.arrive $0xFFFF  }
0x270: {  	[sflag:s0] =	ssyncadd.tile.s32 @!p0 $0x1;
	_ =	shalt  }
.LBB2_2:
.Ltmp3:
0x271: {  	(pc) =	sbr.rel .LBB2_5-.Ltmp3, $4  }
0x272: {  	s14 =	stileid.u32  }
0x273: {  	s26 =	rddreg [dreg:$0x3];
	s15 =	simm.s32 $0x10;
	s17 =	simm.s32 $0x4C00  }
0x274: {  	s18 =	simm.s32 $0x4A00;
	s19 =	simm.s32 $0x4800;
	s20 =	simm.s32 $0x2400  }
0x275: {  	s21 =	simm.s32 $0x4600;
	s30 =	simm.s32 $0x2200;
	s31 =	simm.s32 $0x4400  }
.Lfunc_end2:
_tile_overlayer_lowered:
.L_overlay_start_2:
0x276: {  	(tag) =	ssettag $0x2  }
0x277: {  	s0 =	rddreg [dreg:$0x0];
	s2 =	stileid.u32  }
0x278: {  	s1 =	rddreg [dreg:$0x1];
	p0 =	sne.s32 s2, $0x0  }
0x279: {  	s3 =	rddreg [dreg:$0x2];
	[bflag:$0x3] =	sbarrier.arrive $0xFFFF;
	s2 =	simm.s32 @!p0 $0x1C04  }
0x27a: {  	[timem:s3], [sflag:s2] =	dma.local @!p0 [hbm:s0], s1  }
0x27b: {  	s0 =	simm.s32 @!p0 $0x4  }
0x27c: {  	_ =	swait.ge @!p0 [sflag:s0], s1  }
0x27d: {  	s1 =	ssub.s32 @!p0 $0x0, s1;
	[sflag:s0] =	ssyncset.done @!p0 $0x0  }
0x27e: {  	[sflag:s0] =	ssyncadd.s32 @!p0 s1  }
0x27f: {  	[bflag:$0x3] =	sbarrier.arrive $0xFFFF  }
0x280: {  	_ =	shalt  }

// kernel: kernel.9.cloned.1.call-start
scs
__scs_entry_jumppad:
0x0: {  	(pc) =	sbr.rel $0x88, $3  }
0x1: {  	(tag) =	ssettag $0x0;
	lr =	simm.s32 $0x1  }
0x2: {  	[smem:$0x3F99] =	sst lr;
	_ =	strace $0xD0000000  }
0x3: {  	_ = 	snop  }
0x4: {  	_ = 	snop  }
0x5: {  	_ = 	snop  }
0x6: {  	_ = 	snop  }
0x7: {  	_ = 	snop  }
__scs_overlays_trampoline_lowered:
0x8: {  	[smem:$0x3FA8] =	sst s0  }
0x9: {  	[smem:$0x3FA9] =	sst s1  }
0xa: {  	[smem:$0x3FAA] =	sst s2  }
0xb: {  	[smem:$0x3FAB] =	sst s3  }
0xc: {  	[smem:$0x3FAC] =	sst s4  }
0xd: {  	[smem:$0x3FAD] =	sst s5  }
0xe: {  	[smem:$0x3FAE] =	sst s6  }
0xf: {  	[smem:$0x3FAF] =	sst s7  }
0x10: {  	[smem:$0x3FB0] =	sst s8  }
0x11: {  	[smem:$0x3FB1] =	sst s9;
	s0 =	simm.s32 @!p0 $0x0  }
0x12: {  	s1 =	sld [smem:$0x3F97];
	s0 =	simm.s32 @p0 $0x1  }
0x13: {  	[smem:$0x3FB2] =	sst s0;
	s0 =	simm.s32 @!p1 $0x0  }
0x14: {  	s2 =	sld [smem:$0x3F96];
	s0 =	simm.s32 @p1 $0x1  }
0x15: {  	[smem:$0x3FB3] =	sst s0;
	s0 =	simm.s32 @!p2 $0x0  }
0x16: {  	s3 =	sld [smem:$0x3FDB];
	s0 =	simm.s32 @p2 $0x1  }
0x17: {  	s4 =	simm.s32 $0x1BF5;
	[smem:$0x3FB5] =	sst s0  }
0x18: {  	s0 =	sld [smem:$0x3F98];
	_ =	swait.ge [sflag:s4], $0x0  }
0x19: {  	s7 =	sld [smem:$0x3F99]  }
0x1a: {  	s8 =	sadd.s32 $0xFFFFE003, lr  }
0x1b: {  	s9 =	sadd.s32 $0xFFFFFEF7, lr;
	s5 =	simm.s32 $0xFFFFFFFF;
	p2 =	slt.u32 s8, $0xFFFFF086  }
0x1c: {  	p1 =	slt.u32 s9, $0xF7A;
	s5 =	simm.s32 @!p2 $0x0  }
0x1d: {  	s5 =	simm.s32 @p1 $0x1;
	p0 =	seq.s32 s7, s2  }
0x1e: {  	s7 =	smul.u32 @!p0 $0xF7A, s2;
	p2 =	seq.s32 @!p0 s5, $0x0  }
0x1f: {  	s9 =	smul.u32 $0xF7A, s1;
	s8 =	simm.s32 @!p0 $0x1BF5;
	p2 =	por !p2, p0  }
0x20: {  	[sflag:s8] =	ssyncset.s32 @!p0 $0xFFFFF086;
	s6 =	sadd.s32 @!p0 s3, s7;
	s7 =	simm.s32 @!p0 $0x108  }
0x21: {  	s3 =	sadd.s32 s3, s9;
	s6 =	sadd.s32 @!p0 $0x88, s6;
	s7 =	simm.s32 @p2 $0x1082  }
0x22: {  	[simem:s7], [sflag:s8] =	dma.local @!p0 [hbm:s6], $0xF7A  }
0x23: {  	s9 =	sor.u32 $0xD0000000, s2;
	s6 =	simm.s32 $0x108;
	_ =	swait.ge @!p0 [sflag:s8], $0x0  }
0x24: {  	s3 =	sadd.s32 $0x88, s3;
	s6 =	simm.s32 @!p1 $0x1082;
	[sflag:s4] =	ssyncset.s32 $0xFFFFF086  }
0x25: {  	[simem:s6], [sflag:s4] =	dma.local [hbm:s3], $0xF7A  }
0x26: {  	[smem:$0x3F99] =	sst s1;
	(tag) =	ssettag s2;
	_ =	strace s9  }
0x27: {  	s1 =	sld [smem:$0x3FA9]  }
0x28: {  	s2 =	sld [smem:$0x3FAA]  }
0x29: {  	s4 =	sld [smem:$0x3FAC]  }
0x2a: {  	p0 =	seq.s32 s5, $0x0;
	s5 =	sld [smem:$0x3FAD]  }
0x2b: {  	s6 =	sld [smem:$0x3FAE]  }
0x2c: {  	s7 =	sld [smem:$0x3FAF]  }
0x2d: {  	s3 =	simm.s32 $0x108;
	s8 =	sld [smem:$0x3FB0]  }
0x2e: {  	s3 =	simm.s32 @!p0 $0x1082;
	s9 =	sld [smem:$0x3FB1]  }
0x2f: {  	lr =	sadd.s32 s0, s3;
	s0 =	sld [smem:$0x3FA8]  }
0x30: {  	s3 =	sld [smem:$0x3FAB]  }
0x31: {  	[smem:$0x3FB4] =	sst s10  }
0x32: {  	s10 =	sld [smem:$0x3FB2];
	_ =	sdelay $0x3  }
0x33: {  	p0 =	seq.s32 s10, $0x1;
	s10 =	sld [smem:$0x3FB4];
	_ =	sdelay $0x3  }
0x34: {  	[smem:$0x3FB4] =	sst s10  }
0x35: {  	s10 =	sld [smem:$0x3FB3];
	_ =	sdelay $0x3  }
0x36: {  	p1 =	seq.s32 s10, $0x1;
	s10 =	sld [smem:$0x3FB4];
	_ =	sdelay $0x3  }
0x37: {  	[smem:$0x3FB4] =	sst s10  }
0x38: {  	s10 =	sld [smem:$0x3FB5]  }
0x39: {  	_ = 	snop;
	(pc) =	sbr.ind lr, $3  }
0x3a: {  	_ = 	snop  }
0x3b: {  	_ = 	snop  }
0x3c: {  	p2 =	seq.s32 s10, $0x1;
	s10 =	sld [smem:$0x3FB4]  }
0x3d: {  	_ =	shalt  }
0x3e: {  	_ =	shalt  }
0x3f: {  	_ =	shalt  }
0x40: {  	_ =	shalt  }
0x41: {  	_ =	shalt  }
0x42: {  	_ =	shalt  }
0x43: {  	_ =	shalt  }
0x44: {  	_ =	shalt  }
0x45: {  	_ =	shalt  }
0x46: {  	_ =	shalt  }
0x47: {  	_ =	shalt  }
0x48: {  	_ =	shalt  }
0x49: {  	_ =	shalt  }
0x4a: {  	_ =	shalt  }
0x4b: {  	_ =	shalt  }
0x4c: {  	_ =	shalt  }
0x4d: {  	_ =	shalt  }
0x4e: {  	_ =	shalt  }
0x4f: {  	_ =	shalt  }
0x50: {  	_ =	shalt  }
0x51: {  	_ =	shalt  }
0x52: {  	_ =	shalt  }
0x53: {  	_ =	shalt  }
0x54: {  	_ =	shalt  }
0x55: {  	_ =	shalt  }
0x56: {  	_ =	shalt  }
0x57: {  	_ =	shalt  }
0x58: {  	_ =	shalt  }
0x59: {  	_ =	shalt  }
0x5a: {  	_ =	shalt  }
0x5b: {  	_ =	shalt  }
0x5c: {  	_ =	shalt  }
0x5d: {  	_ =	shalt  }
0x5e: {  	_ =	shalt  }
0x5f: {  	_ =	shalt  }
0x60: {  	_ =	shalt  }
0x61: {  	_ =	shalt  }
0x62: {  	_ =	shalt  }
0x63: {  	_ =	shalt  }
0x64: {  	_ =	shalt  }
0x65: {  	_ =	shalt  }
0x66: {  	_ =	shalt  }
0x67: {  	_ =	shalt  }
0x68: {  	_ =	shalt  }
0x69: {  	_ =	shalt  }
0x6a: {  	_ =	shalt  }
0x6b: {  	_ =	shalt  }
0x6c: {  	_ =	shalt  }
0x6d: {  	_ =	shalt  }
0x6e: {  	_ =	shalt  }
0x6f: {  	_ =	shalt  }
0x70: {  	_ =	shalt  }
0x71: {  	_ =	shalt  }
0x72: {  	_ =	shalt  }
0x73: {  	_ =	shalt  }
0x74: {  	_ =	shalt  }
0x75: {  	_ =	shalt  }
0x76: {  	_ =	shalt  }
0x77: {  	_ =	shalt  }
0x78: {  	_ =	shalt  }
0x79: {  	_ =	shalt  }
0x7a: {  	_ =	shalt  }
0x7b: {  	_ =	shalt  }
0x7c: {  	_ =	shalt  }
0x7d: {  	_ =	shalt  }
0x7e: {  	_ =	shalt  }
0x7f: {  	_ =	shalt  }
0x80: {  	_ =	shalt  }
0x81: {  	_ =	shalt  }
0x82: {  	_ =	shalt  }
0x83: {  	_ =	shalt  }
0x84: {  	_ =	shalt  }
0x85: {  	_ =	shalt  }
0x86: {  	_ =	shalt  }
0x87: {  	_ =	shalt  }
.Lfunc_end0:
.L_simem_size_0:
called_computation_lowered:
.L_overlay_start_0:
0x88: {  	s2 =	sld [smem:$0x3FD9]  }
0x89: {  	s3 =	sld [smem:$0x3FFE];
	_ =	sdelay $0x1  }
0x8a: {  	s1 =	srdreg.scid  }
0x8b: {  	s0 =	sand.u32 $0x1, s1  }
0x8c: {  	s16 =	sshll.u32 s0, $0xA;
	s2 =	sadd.s32 s3, s2  }
0x8d: {  	s2 =	sadd.s32 s2, s16  }
0x8e: {  	[smem:$0x3FC0] =	sst s2  }
0x8f: {  	_ = 	snop  }
0x90: {  	(tm) =	ssettm $0x1  }
0x91: {  	s17 =	sld [smem:$0x3FFB];
	_ =	sdelay $0x3  }
0x92: {  	_ =	strace s17  }
0x93: {  	s2 =	sld [smem:$0x3FFC];
	_ =	sdelay $0x3  }
0x94: {  	_ =	strace s2  }
0x95: {  	s2 =	sld [smem:$0x3FFD];
	_ =	sdelay $0x3  }
0x96: {  	_ =	strace s2  }
0x97: {  	_ =	strace $0x8FFFFFFF  }
0x98: {  	s18 =	sld [smem:$0x3FDB];
	_ =	sdelay $0x1  }
0x99: {  	s19 =	simm.s32 $_scs_section_size  }
0x9a: {  	s4 =	simm.s32 $_size__tile_overlayer_lowered;
	s5 =	simm.s32 $_tile_overlayer_lowered  }
0x9b: {  	s22 =	simm.s32 $0x1BFF;
	s21 =	sshll.u32 s5, $0x1;
	s2 =	sadd.s32 s19, s18  }
0x9c: {  	s6 =	simm.s32 $0x0;
	s20 =	sshll.u32 s4, $0x1;
	s4 =	sadd.s32 s21, s2  }
0x9d: {  	[timem:s6], [sflag:s22] =	dma.local [hbm:s4], s20  }
0x9e: {  	_ =	swait.ge [sflag:s22], s20  }
0x9f: {  	s3 =	ssub.s32 $0x0, s20;
	[sflag:s22] =	ssyncset.done $0x0  }
0xa0: {  	[sflag:s22] =	ssyncadd.s32 s3;
	_ =	sdelay $0x1  }
0xa1: {  	s23 =	simm.s32 $0x1B8B  }
0xa2: {  	_ =	swait.ge [sflag:s23], $0x1  }
0xa3: {  	[sflag:s23] =	ssyncset.done $0x0  }
0xa4: {  	s25 =	simm.s32 $0x1B8E;
	s24 =	sld [smem:$0x3FFE];
	[sflag:s23] =	ssyncadd.s32 $0xFFFFFFFF  }
0xa5: {  	s26 =	simm.s32 $execute0_lowered;
	[smem:$0x3FD2] =	sst s25  }
0xa6: {  	s4 =	sshll.u32 s26, $0x1;
	_ =	strace $0x80000046;
	[dreg:$0x1] =	wrdreg $0xFFFFFFFF  }
0xa7: {  	s28 =	simm.s32 $_size_execute0_lowered;
	s2 =	sadd.s32 s2, s4;
	[dreg:$0x0] =	wrdreg $0x0  }
0xa8: {  	s4 =	sshll.u32 s28, $0x1;
	[dreg:$0x2] =	wrdreg s2  }
0xa9: {  	[dreg:$0x3] =	wrdreg s4  }
0xaa: {  	[dreg:$0x4] =	wrdreg $0xC0  }
0xab: {  	_ =	task [dreg:s6], $0x5FFFF  }
0xac: {  	[dreg:$0x1] =	wrdreg $0xFFFFFFFF  }
0xad: {  	[dreg:$0x0] =	wrdreg $0x60  }
0xae: {  	[dreg:$0x2] =	wrdreg s24  }
0xaf: {  	[dreg:$0x3] =	wrdreg $0x128000  }
0xb0: {  	[dreg:$0x4] =	wrdreg $0x9  }
0xb1: {  	_ =	task.clear_ibuf [dreg:s6], $0x5FFFF;
	_ =	strace $0x90000046  }
0xb2: {  	s29 =	simm.s32 $0x9;
	_ =	strace $0x80000048  }
0xb3: {  	_ =	swait.ge [sflag:s29], $0x1  }
0xb4: {  	[sflag:s29] =	ssyncadd.s32 $0xFFFFFFFF  }
0xb5: {  	_ =	strace $0x90000048  }
0xb6: {  	_ =	sfence  }
0xb7: {  	s30 =	sld [smem:$0x0];
	_ =	sdelay $0x2  }
0xb8: {  	s31 =	sshll.u32 s1, $0xD;
	s1 =	sshrl.u32 s1, $0x2  }
0xb9: {  	s3 =	sand.u32 $0x4000, s31;
	s1 =	sadd.s32 s1, s30  }
0xba: {  	s0 =	sor.u32 s3, s0;
	s1 =	sshll.u32 s1, $0x11  }
0xbb: {  	s0 =	sor.u32 s1, s0  }
0xbc: {  	s0 =	sadd.s32 $0x8F2B, s0  }
0xbd: {  	[sflag:s0] =	ssyncadd.remote.s32 $0x1  }
0xbe: {  	_ =	sfence.sel $0xFFFF  }
0xbf: {  	[dreg:$0x0] =	wrdreg $0xFFFFFFFF;
	(pc) =	sbr.abs _section_cstart, $3  }
0xc0: {  	[dreg:$0x1] =	wrdreg $0xFFFFFFFF  }
0xc1: {  	_ =	task.clear_ibuf [dreg:s6], $0x2FFFF;
	_ =	strace $0x9FFFFFFF  }
0xc2: {  	(tm) =	ssettm $0x7FFFFFFF  }
0xc3: {  	_ =	shalt  }
tec
execute0_lowered:
.L_overlay_start_1:
0x0: {  	(tag) =	ssettag $0x1  }
0x1: {  	s0 =	rddreg [dreg:$0x0]  }
0x2: {  	s2 =	rddreg [dreg:$0x1]  }
0x3: {  	s1 =	stileid.u32;
	s4 =	srdreg.scid  }
0x4: {  	s3 =	simm.s32 $0x0;
	s14 =	simm.s32 $0x100;
	s15 =	simm.s32 $0x5000  }
0x5: {  	s16 =	simm.s32 $0x9800;
	s19 =	simm.s32 $0xE000;
	s20 =	simm.s32 $0x1  }
0x6: {  	s21 =	simm.s32 $0x2;
	s22 =	simm.s32 $0x3;
	s28 =	simm.s32 $0x10  }
0x7: {  	s29 =	simm.s32 $0x9;
	s30 =	simm.s32 $0x0;
	s7 =	smul.u32 $0xAFC8, s1  }
0x8: {  	s5 =	sand.u32 $0x1, s4;
	[smem:$0x7FF] =	sst s3;
	s4 =	sadd.s32 $0x15200, s0  }
0x9: {  	s8 =	smul.u32 $0x13880, s1;
	s9 =	sadd.s32 $0x1800, s0;
	s12 =	sshll.u32 s1, $0x5  }
0xa: {  	s31 =	sshll.u32 s1, $0x6;
	s6 =	smul.u32 $0x138800, s5;
	_ =	strace $0x80000047  }
0xb: {  	s11 =	sshll.u32 s5, $0x4;
	s5 =	ssub.s32 $0x2, s5;
	s26 =	sadd.s32 s12, s9  }
0xc: {  	s12 =	simm.s32 $0x4;
	s17 =	sor.u32 $0x1C04, s31;
	s10 =	sshrl.u32 s7, $0x3  }
0xd: {  	s11 =	sor.u32 s1, s11;
	s25 =	sshrl.u32 s5, $0x1;
	s18 =	sadd.s32 s7, s2  }
0xe: {  	s10 =	sadd.s32 s10, s0;
	s6 =	sadd.s32 s8, s6;
	s24 =	smul.u32 $0x4E0, s11  }
0xf: {  	s13 =	ssub.s32 s5, s25;
	p0 =	sgt.u32 s11, $0x1;
	s18 =	sshrl.u32 s18, $0x3  }
0x10: {  	s25 =	simm.s32 $0x4D00;
	s6 =	sshrl.u32 s6, $0x3;
	s7 =	sadd.s32 $0x2B200, s10  }
0x11: {  	s0 =	sadd.s32 s6, s0;
	s5 =	sadd.s32 s9, s24;
	s6 =	sadd.s32 $0x9C00, s26  }
0x12: {  	s9 =	smax.u32 s13, $0x1;
	s24 =	simm.s32 $0x4C00;
	s26 =	simm.s32 $0x4E00  }
0x13: {  	s8 =	sadd.s32 $0x41200, s0;
	s10 =	sadd.s32 $0x9C40, s5;
	s13 =	sadd.s32 @!p0 $0x9C40, s6  }
.LBB2_1:
0x14: {  	[tilespmem:s3], [sflag:$0x4] =	stream.linear.gather [hbm4b:s5+s3], $0x2700, $0x38;
	[tilespmem:$0x1D7C8] =	vst v63  }
0x15: {  	s0 =	simm.s32 $0x2800  }
0x16: {  	[tilespmem:s0], [sflag:$0x4] =	stream.linear.gather [hbm4b:s10+s3], $0x2700, $0x38;
	[tilespmem:$0x1D7C8] =	vst v63  }
0x17: {  	_ =	swait.ge [sflag:s12], $0x4E00  }
0x18: {  	[sflag:s12] =	ssyncset.done $0x0  }
0x19: {  	s31 =	simm.s32 @!p0 $0x2700;
	s0 =	simm.s32 @!p0 $0x0;
	[sflag:s12] =	ssyncadd.s32 $0xFFFFB200  }
0x1a: {  	[tilespmem:s31], [sflag:$0x4] =	stream.linear.gather @!p0 [hbm4b:s6+s0], $0x100, $0x38;
	[tilespmem:$0x1D7C8] =	vst v63  }
0x1b: {  	s31 =	simm.s32 @!p0 $0x4F00  }
0x1c: {  	[tilespmem:s31], [sflag:$0x4] =	stream.linear.gather @!p0 [hbm4b:s13+s0], $0x100, $0x38;
	[tilespmem:$0x1D7C8] =	vst v63  }
0x1d: {  	s0 =	simm.s32 @!p0 $0x4  }
0x1e: {  	_ =	swait.ge @!p0 [sflag:s0], $0x200  }
0x1f: {  	[sflag:s0] =	ssyncset.done @!p0 $0x0  }
0x20: {  	[sflag:s0] =	ssyncadd.s32 @!p0 $0xFFFFFE00  }
0x21: {  	[tilespmem:s15], [sflag:$0x1] =	stream.indirect.gather [hbm4b:s4+s14], $0x48, s3, s14, $0xb8;
	[tilespmem:$0x1D7C8] =	vst v63  }
0x22: {  	_ = 	snop  }
0x23: {  	[tilespmem:s16], [sflag:$0x2] =	stream.indirect.gather [hbm4b:s4+s14], $0x48, s14, s14, $0xb8;
	[tilespmem:$0x1D7C8] =	vst v63  }
0x24: {  	[spmem:s18], [sflag:s17] =	dma.local [hbm:s7], $0x15F9  }
0x25: {  	_ =	swait.ge [sflag:s12], $0x15F9  }
0x26: {  	[sflag:s12] =	ssyncset.done $0x0  }
0x27: {  	[sflag:s12] =	ssyncadd.s32 $0xFFFFEA07  }
0x28: {  	s1 =	simm.s32 $0x200;
	[bflag:$0x0] =	sbarrier.arrive $0xFFFF  }
0x29: {  	[tilespmem:s19], [sflag:$0x3] =	stream.indirect.gather [hbm4b:s4+s14], $0x48, s1, s14, $0xb8;
	[tilespmem:$0x1D7C8] =	vst v63  }
0x2a: {  	_ =	swait.ge [sflag:s20], $0x4800  }
0x2b: {  	[sflag:s20] =	ssyncset.done $0x0  }
0x2c: {  	s11 =	simm.s32 $0x2800;
	[sflag:s20] =	ssyncadd.s32 $0xFFFFB800  }
0x2d: {  	[spmem:s2] =	stream.indirect.scatter.add.f32 [tilespmem:s15], [sflag:$0x4], $0x48, s11, s14, $0xb8;
	[tilespmem:$0x1D7C8] =	vst v63  }
0x2e: {  	_ =	swait.ge [sflag:s12], $0x4800  }
0x2f: {  	[sflag:s12] =	ssyncset.done $0x0  }
0x30: {  	s23 =	simm.s32 $0x300;
	[sflag:s12] =	ssyncadd.s32 $0xFFFFB800  }
0x31: {  	[tilespmem:s15], [sflag:$0x1] =	stream.indirect.gather [hbm4b:s4+s14], $0x48, s23, s14, $0xb8;
	[tilespmem:$0x1D7C8] =	vst v63  }
0x32: {  	_ =	swait.ge [sflag:s21], $0x4800  }
0x33: {  	[sflag:s21] =	ssyncset.done $0x0  }
0x34: {  	s1 =	simm.s32 $0x2900;
	[sflag:s21] =	ssyncadd.s32 $0xFFFFB800  }
0x35: {  	[spmem:s2] =	stream.indirect.scatter.add.f32 [tilespmem:s16], [sflag:$0x4], $0x48, s1, s14, $0xb8;
	[tilespmem:$0x1D7C8] =	vst v63  }
0x36: {  	_ =	swait.ge [sflag:s12], $0x4800  }
0x37: {  	[sflag:s12] =	ssyncset.done $0x0  }
0x38: {  	s11 =	simm.s32 $0x400;
	[sflag:s12] =	ssyncadd.s32 $0xFFFFB800  }
0x39: {  	[tilespmem:s16], [sflag:$0x2] =	stream.indirect.gather [hbm4b:s4+s14], $0x48, s11, s14, $0xb8;
	[tilespmem:$0x1D7C8] =	vst v63  }
0x3a: {  	_ =	swait.ge [sflag:s22], $0x4800  }
0x3b: {  	[sflag:s22] =	ssyncset.done $0x0  }
0x3c: {  	s23 =	simm.s32 $0x2A00;
	[sflag:s22] =	ssyncadd.s32 $0xFFFFB800  }
0x3d: {  	[spmem:s2] =	stream.indirect.scatter.add.f32 [tilespmem:s19], [sflag:$0x4], $0x48, s23, s14, $0xb8;
	[tilespmem:$0x1D7C8] =	vst v63  }
0x3e: {  	_ =	swait.ge [sflag:s12], $0x4800  }
0x3f: {  	s31 =	simm.s32 $0x300;
	s0 =	simm.s32 $0x1800;
	[sflag:s12] =	ssyncset.done $0x0  }
.LBB2_2:
0x40: {  	s1 =	sadd.s32 $0x200, s31  }
0x41: {  	[sflag:s12] =	ssyncadd.s32 $0xFFFFB800;
	s11 =	smov.u32 s0;
	s23 =	sadd.s32 $0xC00, s0  }
0x42: {  	[tilespmem:s19], [sflag:$0x3] =	stream.indirect.gather [hbm4b:s4+s14], $0x48, s1, s14, $0xb8;
	[tilespmem:$0x1D7C8] =	vst v63  }
0x43: {  	p1 =	sne.s32 s0, $0x8400;
	_ =	swait.ge [sflag:s20], $0x4800  }
0x44: {  	[sflag:s20] =	ssyncset.done $0x0  }
0x45: {  	s0 =	sadd.s32 $0x2800, s31;
	[sflag:s20] =	ssyncadd.s32 $0xFFFFB800  }
0x46: {  	[spmem:s2] =	stream.indirect.scatter.add.f32 [tilespmem:s15], [sflag:$0x4], $0x48, s0, s14, $0xb8;
	[tilespmem:$0x1D7C8] =	vst v63  }
0x47: {  	_ =	swait.ge [sflag:s12], $0x4800  }
0x48: {  	[sflag:s12] =	ssyncset.done $0x0  }
0x49: {  	s0 =	sadd.s32 $0x300, s31;
	[sflag:s12] =	ssyncadd.s32 $0xFFFFB800  }
0x4a: {  	[tilespmem:s15], [sflag:$0x1] =	stream.indirect.gather [hbm4b:s4+s14], $0x48, s0, s14, $0xb8;
	[tilespmem:$0x1D7C8] =	vst v63  }
0x4b: {  	_ =	swait.ge [sflag:s21], $0x4800  }
0x4c: {  	[sflag:s21] =	ssyncset.done $0x0  }
0x4d: {  	s0 =	sadd.s32 $0x2900, s31;
	[sflag:s21] =	ssyncadd.s32 $0xFFFFB800  }
0x4e: {  	[spmem:s2] =	stream.indirect.scatter.add.f32 [tilespmem:s16], [sflag:$0x4], $0x48, s0, s14, $0xb8;
	[tilespmem:$0x1D7C8] =	vst v63  }
0x4f: {  	_ =	swait.ge [sflag:s12], $0x4800  }
0x50: {  	[sflag:s12] =	ssyncset.done $0x0  }
0x51: {  	s0 =	sadd.s32 $0x400, s31;
	[sflag:s12] =	ssyncadd.s32 $0xFFFFB800  }
0x52: {  	[tilespmem:s16], [sflag:$0x2] =	stream.indirect.gather [hbm4b:s4+s14], $0x48, s0, s14, $0xb8;
	[tilespmem:$0x1D7C8] =	vst v63  }
0x53: {  	_ =	swait.ge [sflag:s22], $0x4800  }
.Ltmp0:
0x54: {  	[sflag:s22] =	ssyncset.done $0x0;
	(pc) =	sbr.rel @p1 .LBB2_2-.Ltmp0, $4  }
0x55: {  	s0 =	sadd.s32 $0x2A00, s31;
	[sflag:s22] =	ssyncadd.s32 $0xFFFFB800  }
0x56: {  	[spmem:s2] =	stream.indirect.scatter.add.f32 [tilespmem:s19], [sflag:$0x4], $0x48, s0, s14, $0xb8;
	[tilespmem:$0x1D7C8] =	vst v63  }
0x57: {  	_ =	swait.ge [sflag:s12], $0x4800  }
0x58: {  	s31 =	sshra.s32 s11, $0x2;
	s0 =	smov.u32 s23;
	[sflag:s12] =	ssyncset.done $0x0  }
0x59: {  	s0 =	sadd.s32 $0x200, s31;
	[sflag:s12] =	ssyncadd.s32 $0xFFFFB800  }
0x5a: {  	[tilespmem:s19], [sflag:$0x3] =	stream.indirect.gather [hbm4b:s4+s14], $0x48, s0, s14, $0xb8;
	[tilespmem:$0x1D7C8] =	vst v63  }
0x5b: {  	_ =	swait.ge [sflag:s20], $0x4800  }
0x5c: {  	[sflag:s20] =	ssyncset.done $0x0  }
0x5d: {  	s11 =	sadd.s32 $0x2800, s31;
	[sflag:s20] =	ssyncadd.s32 $0xFFFFB800  }
0x5e: {  	[spmem:s2] =	stream.indirect.scatter.add.f32 [tilespmem:s15], [sflag:$0x4], $0x48, s11, s14, $0xb8;
	[tilespmem:$0x1D7C8] =	vst v63  }
0x5f: {  	_ =	swait.ge [sflag:s12], $0x4800  }
0x60: {  	[sflag:s12] =	ssyncset.done $0x0  }
0x61: {  	s23 =	sadd.s32 $0x300, s31;
	[sflag:s12] =	ssyncadd.s32 $0xFFFFB800  }
0x62: {  	[tilespmem:s15], [sflag:$0x1] =	stream.indirect.gather [hbm4b:s4+s14], $0x48, s23, s14, $0xb8;
	[tilespmem:$0x1D7C8] =	vst v63  }
0x63: {  	_ =	swait.ge [sflag:s21], $0x4800  }
0x64: {  	[sflag:s21] =	ssyncset.done $0x0  }
0x65: {  	s1 =	sadd.s32 $0x2900, s31;
	[sflag:s21] =	ssyncadd.s32 $0xFFFFB800  }
0x66: {  	[spmem:s2] =	stream.indirect.scatter.add.f32 [tilespmem:s16], [sflag:$0x4], $0x48, s1, s14, $0xb8;
	[tilespmem:$0x1D7C8] =	vst v63  }
0x67: {  	_ =	swait.ge [sflag:s12], $0x4800  }
0x68: {  	[sflag:s12] =	ssyncset.done $0x0  }
0x69: {  	s11 =	sadd.s32 $0x400, s31;
	[sflag:s12] =	ssyncadd.s32 $0xFFFFB800  }
0x6a: {  	[tilespmem:s16], [sflag:$0x2] =	stream.indirect.gather [hbm4b:s4+s14], $0x48, s11, s14, $0xb8;
	[tilespmem:$0x1D7C8] =	vst v63  }
0x6b: {  	_ =	swait.ge [sflag:s22], $0x4800  }
0x6c: {  	[sflag:s22] =	ssyncset.done $0x0  }
0x6d: {  	s23 =	sadd.s32 $0x2A00, s31;
	[sflag:s22] =	ssyncadd.s32 $0xFFFFB800  }
0x6e: {  	[spmem:s2] =	stream.indirect.scatter.add.f32 [tilespmem:s19], [sflag:$0x4], $0x48, s23, s14, $0xb8;
	[tilespmem:$0x1D7C8] =	vst v63  }
0x6f: {  	_ =	swait.ge [sflag:s12], $0x4800  }
0x70: {  	[sflag:s12] =	ssyncset.done $0x0  }
0x71: {  	s31 =	simm.s32 $0x2600;
	[sflag:s12] =	ssyncadd.s32 $0xFFFFB800  }
0x72: {  	[tilespmem:s19], [sflag:$0x3] =	stream.indirect.gather [hbm4b:s4+s14], $0x48, s31, s14, $0xb8;
	[tilespmem:$0x1D7C8] =	vst v63  }
0x73: {  	_ =	swait.ge [sflag:s20], $0x4800  }
0x74: {  	[sflag:s20] =	ssyncset.done $0x0  }
0x75: {  	[sflag:s20] =	ssyncadd.s32 $0xFFFFB800  }
0x76: {  	[spmem:s2] =	stream.indirect.scatter.add.f32 [tilespmem:s15], [sflag:$0x4], $0x48, s24, s14, $0xb8;
	[tilespmem:$0x1D7C8] =	vst v63  }
0x77: {  	_ =	swait.ge [sflag:s12], $0x4800  }
0x78: {  	[sflag:s12] =	ssyncset.done $0x0  }
0x79: {  	[sflag:s12] =	ssyncadd.s32 $0xFFFFB800  }
0x7a: {  	_ =	swait.ge [sflag:s21], $0x4800  }
0x7b: {  	[sflag:s21] =	ssyncset.done $0x0  }
0x7c: {  	[sflag:s21] =	ssyncadd.s32 $0xFFFFB800  }
0x7d: {  	[spmem:s2] =	stream.indirect.scatter.add.f32 [tilespmem:s16], [sflag:$0x4], $0x48, s25, s14, $0xb8;
	[tilespmem:$0x1D7C8] =	vst v63  }
0x7e: {  	_ =	swait.ge [sflag:s12], $0x4800  }
0x7f: {  	[sflag:s12] =	ssyncset.done $0x0  }
0x80: {  	[sflag:s12] =	ssyncadd.s32 $0xFFFFB800  }
0x81: {  	_ =	swait.ge [sflag:s22], $0x4800  }
0x82: {  	[sflag:s22] =	ssyncset.done $0x0  }
0x83: {  	[sflag:s22] =	ssyncadd.s32 $0xFFFFB800  }
0x84: {  	[spmem:s2] =	stream.indirect.scatter.add.f32 [tilespmem:s19], [sflag:$0x4], $0x48, s26, s14, $0xb8;
	[tilespmem:$0x1D7C8] =	vst v63  }
0x85: {  	_ =	swait.ge [sflag:s12], $0x4800  }
0x86: {  	s0 =	simm.s32 @!p0 $0x100;
	[sflag:s12] =	ssyncset.done $0x0  }
0x87: {  	s1 =	simm.s32 @!p0 $0x2700;
	s11 =	simm.s32 @!p0 $0x5000;
	[sflag:s12] =	ssyncadd.s32 $0xFFFFB800  }
0x88: {  	[tilespmem:s11], [sflag:$0x1] =	stream.indirect.gather @!p0 [hbm4b:s4+s0], $0x48, s1, s0, $0xb8;
	[tilespmem:$0x1D7C8] =	vst v63  }
0x89: {  	s1 =	simm.s32 @!p0 $0x1  }
0x8a: {  	_ =	swait.ge @!p0 [sflag:s1], $0x4800  }
0x8b: {  	[sflag:s1] =	ssyncset.done @!p0 $0x0  }
0x8c: {  	[sflag:s1] =	ssyncadd.s32 @!p0 $0xFFFFB800;
	s1 =	simm.s32 @!p0 $0x4F00  }
0x8d: {  	[spmem:s2] =	stream.indirect.scatter.add.f32 @!p0 [tilespmem:s11], [sflag:$0x4], $0x48, s1, s0, $0xb8;
	[tilespmem:$0x1D7C8] =	vst v63  }
0x8e: {  	s0 =	simm.s32 @!p0 $0x4  }
0x8f: {  	_ =	swait.ge @!p0 [sflag:s0], $0x4800  }
0x90: {  	s30 =	sadd.s32 $0x1, s30;
	[sflag:s0] =	ssyncset.done @!p0 $0x0  }
0x91: {  	p1 =	sne.s32 s30, s9;
	[sflag:s0] =	ssyncadd.s32 @!p0 $0xFFFFB800  }
.Ltmp1:
0x92: {  	[bflag:$0x0] =	sbarrier.arrive $0xFFFF;
	(pc) =	sbr.rel @p1 .LBB2_1-.Ltmp1, $4  }
0x93: {  	[hbm:s8@s28], [sflag:s17] =	dma.strided [spmem:s18@s29], $0x15F9, s20, $0x9   }
0x94: {  	_ =	swait.ge [sflag:s12], $0x15F9  }
0x95: {  	[sflag:s12] =	ssyncset.done $0x0  }
0x96: {  	[sflag:s12] =	ssyncadd.s32 $0xFFFFEA07  }
0x97: {  	_ =	sfence.sel $0x180000  }
0x98: {  	[bflag:$0x0] =	sbarrier.arrive $0xFFFF  }
0x99: {  	_ =	strace $0x90000047  }
0x9a: {  	s0 =	stileid.u32;
	[bflag:$0x2] =	sbarrier.arrive $0xFFFF  }
0x9b: {  	p0 =	sne.s32 s0, $0x0;
	s0 =	rddreg [dreg:$0x2]  }
0x9c: {  	s0 =	sadd.s32 @!p0 $0x100000, s0  }
0x9d: {  	[sflag:s0] =	ssyncadd.tile.s32 @!p0 $0x1;
	_ =	shalt  }
.Lfunc_end2:
_tile_overlayer_lowered:
.L_overlay_start_2:
0x9e: {  	(tag) =	ssettag $0x2  }
0x9f: {  	s0 =	rddreg [dreg:$0x0];
	s2 =	stileid.u32  }
0xa0: {  	s1 =	rddreg [dreg:$0x1];
	p0 =	sne.s32 s2, $0x0  }
0xa1: {  	s3 =	rddreg [dreg:$0x2];
	[bflag:$0x3] =	sbarrier.arrive $0xFFFF;
	s2 =	simm.s32 @!p0 $0x1C04  }
0xa2: {  	[timem:s3], [sflag:s2] =	dma.local @!p0 [hbm:s0], s1  }
0xa3: {  	s0 =	simm.s32 @!p0 $0x4  }
0xa4: {  	_ =	swait.ge @!p0 [sflag:s0], s1  }
0xa5: {  	s1 =	ssub.s32 @!p0 $0x0, s1;
	[sflag:s0] =	ssyncset.done @!p0 $0x0  }
0xa6: {  	[sflag:s0] =	ssyncadd.s32 @!p0 s1  }
0xa7: {  	[bflag:$0x3] =	sbarrier.arrive $0xFFFF  }
0xa8: {  	_ =	shalt  }

</sc_bundles>
